<compile_context>
chip_gen: v7x
topology: tpu7x:2x2x1
jax: 0.10.2.dev20260603
libtpu: 0.0.44.dev20260713+nightly
codegen_flags: <defaults>
</compile_context>

<pallas_src>
import functools

import jax
import jax.numpy as jnp
from jax import lax
from jax.experimental import pallas as pl
from jax.experimental.pallas import tpu as pltpu
from jax.experimental.pallas import tpu_sc as plsc

NC = 2
NS = 16
L = 16
NW = NC * NS

E = 320000
N_NODES = 10000
D = 128

C = 64
CHUNKS_PER_W = 160
CW = CHUNKS_PER_W * C
EP = NW * CW
KU = 8
NG = C // L
NP_NODES = 10240
ROWS_PER_TILE = NP_NODES // NS


def _sc_kernel_body(src_hbm, dst_hbm, z_hbm, out_hbm,
                    z_sh,
                    sidx0, didx0, sidx1, didx1,
                    srows0, drows0, srows1, drows1,
                    outv0, outv1,
                    isem0, isem1, rsem0, rsem1, osem0, osem1):
    cid = lax.axis_index("c")
    sid = lax.axis_index("s")
    wid = sid * NC + cid
    base = wid * CW

    row0 = sid * ROWS_PER_TILE
    pltpu.sync_copy(z_hbm.at[pl.ds(row0, ROWS_PER_TILE)],
                    z_sh.at[pl.ds(row0, ROWS_PER_TILE)])
    plsc.subcore_barrier()

    ibufs = ((sidx0, didx0, isem0), (sidx1, didx1, isem1))
    rbufs = ((srows0, drows0, outv0, rsem0, osem0),
             (srows1, drows1, outv1, rsem1, osem1))

    def idx_start(b, t):
        sidx, didx, isem = ibufs[b]
        off = base + t * C
        pltpu.async_copy(src_hbm.at[pl.ds(off, C)], sidx, isem)
        pltpu.async_copy(dst_hbm.at[pl.ds(off, C)], didx, isem)

    def idx_wait(b):
        sidx, didx, isem = ibufs[b]
        pltpu.make_async_copy(src_hbm.at[pl.ds(base, C)], sidx, isem).wait()
        pltpu.make_async_copy(dst_hbm.at[pl.ds(base, C)], didx, isem).wait()

    def rows_start(b):
        sidx, didx, _ = ibufs[b]
        srows, drows, outv, rsem, osem = rbufs[b]
        pltpu.async_copy(z_sh.at[sidx], srows, rsem)
        pltpu.async_copy(z_sh.at[didx], drows, rsem)

    def rows_wait(b):
        sidx, didx, _ = ibufs[b]
        srows, drows, outv, rsem, osem = rbufs[b]
        pltpu.make_async_copy(z_sh.at[sidx], srows, rsem).wait()
        pltpu.make_async_copy(z_sh.at[didx], drows, rsem).wait()

    def out_wait(b):
        srows, drows, outv, rsem, osem = rbufs[b]
        pltpu.make_async_copy(outv, out_hbm.at[pl.ds(base, C)], osem).wait()

    def compute(b, t):
        srows, drows, outv, rsem, osem = rbufs[b]
        lane = lax.iota(jnp.int32, L)
        eids = [lane + (g * L) for g in range(NG)]

        def kbody(j, accs):
            k0 = j * KU
            new = list(accs)
            for u in range(KU):
                kv = (lane + (k0 + u)) & (D - 1)
                for g in range(NG):
                    s = plsc.load_gather(srows, [eids[g], kv])
                    d = plsc.load_gather(drows, [eids[g], kv])
                    new[g] = new[g] + s * d
            return tuple(new)

        accs = lax.fori_loop(0, D // KU, kbody,
                             tuple(jnp.zeros((L,), jnp.float32)
                                   for _ in range(NG)))
        @pl.when(t >= 2)
        def _():
            out_wait(b)

        for g in range(NG):
            outv[pl.ds(g * L, L)] = accs[g]
        pltpu.async_copy(outv, out_hbm.at[pl.ds(base + t * C, C)], osem)

    idx_start(0, 0)
    idx_wait(0)
    rows_start(0)
    idx_start(1, 1)

    def pair_body(i, carry):
        t0 = 2 * i
        last = CHUNKS_PER_W // 2 - 1

        idx_wait(1)
        rows_start(1)

        rows_wait(0)

        @pl.when(i < last)
        def _():
            idx_start(0, t0 + 2)

        compute(0, t0)

        @pl.when(i < last)
        def _():
            idx_wait(0)
            rows_start(0)

        rows_wait(1)

        @pl.when(i < last)
        def _():
            idx_start(1, t0 + 3)

        compute(1, t0 + 1)
        return carry

    lax.fori_loop(0, CHUNKS_PER_W // 2, pair_body, 0)
    out_wait(0)
    out_wait(1)


@functools.partial(jax.jit)
def kernel(z, edge_index):
    edge_index = edge_index.astype(jnp.int32)
    z = jnp.pad(z, ((0, NP_NODES - N_NODES), (0, 0)))
    src = jnp.pad(edge_index[0], (0, EP - E))
    dst = jnp.pad(edge_index[1], (0, EP - E))

    mesh = plsc.VectorSubcoreMesh(core_axis_name="c", subcore_axis_name="s",
                                  num_cores=NC, num_subcores=NS)
    run = pl.kernel(
        _sc_kernel_body,
        out_type=jax.ShapeDtypeStruct((EP,), jnp.float32),
        mesh=mesh,
        compiler_params=pltpu.CompilerParams(needs_layout_passes=False,
                                            disable_bounds_checks=True),
        scratch_types=[
            pltpu.VMEM_SHARED((NP_NODES, D), jnp.float32),
            pltpu.VMEM((C,), jnp.int32),
            pltpu.VMEM((C,), jnp.int32),
            pltpu.VMEM((C,), jnp.int32),
            pltpu.VMEM((C,), jnp.int32),
            pltpu.VMEM((C, D), jnp.float32),
            pltpu.VMEM((C, D), jnp.float32),
            pltpu.VMEM((C, D), jnp.float32),
            pltpu.VMEM((C, D), jnp.float32),
            pltpu.VMEM((C,), jnp.float32),
            pltpu.VMEM((C,), jnp.float32),
            pltpu.SemaphoreType.DMA,
            pltpu.SemaphoreType.DMA,
            pltpu.SemaphoreType.DMA,
            pltpu.SemaphoreType.DMA,
            pltpu.SemaphoreType.DMA,
            pltpu.SemaphoreType.DMA,
        ],
    )
    out = run(src, dst, z)
    return out[:E]

# --- scband reference (transcript-rebuilt; emitter-appended) ---
"""Pipeline reference for scband-link-decoder-29652454212318 (READ-ONLY COPY).

The authoritative reference and input builder live on the scoring server;
editing this copy changes nothing except your own understanding.
"""

import jax, jax.numpy as jnp
import numpy as np


def setup_inputs(seed: int = 0) -> dict:
    key = jax.random.key(seed)
    k1, k2 = jax.random.split(key)
    z = jax.random.normal(k1, (10000, 128), dtype=jnp.float32)
    edge_index = jax.random.randint(k2, (2, 320000), 0, 10000, dtype=jnp.int64 if jax.config.jax_enable_x64 else jnp.int32)
    return {"z": z, "edge_index": edge_index}


def reference(z, edge_index):
    src = jnp.take(z, edge_index[0], axis=0)
    dst = jnp.take(z, edge_index[1], axis=0)
    return (src * dst).sum(axis=1)

if __name__ == "__main__":
    import jax
    _d = setup_inputs()
    print(jax.jit(kernel)(*tuple(_d.values())))

</pallas_src>

<mosaic_0001>
#map = affine_map<(d0, d1) -> (0)>
#map1 = affine_map<(d0, d1) -> (0, 0)>
module attributes {stable_mosaic.version = 14 : i64} {
  func.func @_sc_kernel_body(%arg0: i32, %arg1: i32, %arg2: memref<327680xi32, #tpu.memory_space<hbm>>, %arg3: memref<327680xi32, #tpu.memory_space<hbm>>, %arg4: memref<10240x128xf32, #tpu.memory_space<hbm>>, %arg5: memref<327680xf32, #tpu.memory_space<hbm>>, %arg6: memref<10240x128xf32, #tpu.memory_space<vmem_shared>>, %arg7: memref<64xi32, #tpu.memory_space<vmem>>, %arg8: memref<64xi32, #tpu.memory_space<vmem>>, %arg9: memref<64xi32, #tpu.memory_space<vmem>>, %arg10: memref<64xi32, #tpu.memory_space<vmem>>, %arg11: memref<64x128xf32, #tpu.memory_space<vmem>>, %arg12: memref<64x128xf32, #tpu.memory_space<vmem>>, %arg13: memref<64x128xf32, #tpu.memory_space<vmem>>, %arg14: memref<64x128xf32, #tpu.memory_space<vmem>>, %arg15: memref<64xf32, #tpu.memory_space<vmem>>, %arg16: memref<64xf32, #tpu.memory_space<vmem>>, %arg17: memref<!tpu.dma_semaphore, #tpu.memory_space<semaphore_mem>>, %arg18: memref<!tpu.dma_semaphore, #tpu.memory_space<semaphore_mem>>, %arg19: memref<!tpu.dma_semaphore, #tpu.memory_space<semaphore_mem>>, %arg20: memref<!tpu.dma_semaphore, #tpu.memory_space<semaphore_mem>>, %arg21: memref<!tpu.dma_semaphore, #tpu.memory_space<semaphore_mem>>, %arg22: memref<!tpu.dma_semaphore, #tpu.memory_space<semaphore_mem>>) attributes {dimension_semantics = [#tpu.dimension_semantics<core_parallel>, #tpu.dimension_semantics<subcore_parallel>], iteration_bounds = array<i64: 2, 16>, scalar_prefetch = 0 : i64, scratch_operands = 17 : i64, tpu.core_type = #tpu.core_type<sc_vector_subcore>, window_params = [{transform_indices = #map}, {transform_indices = #map}, {transform_indices = #map1}, {transform_indices = #map}]} {
    %mul3A = arith.constant 2 : i32
    %mul3A_0 = arith.muli %arg1, %mul3A : i32
    %add3A = arith.addi %mul3A_0, %arg0 : i32
    %mul3A_1 = arith.constant 10240 : i32
    %mul3A_2 = arith.muli %add3A, %mul3A_1 : i32
    %mul3A_3 = arith.constant 640 : i32
    %mul3A_4 = arith.muli %arg1, %mul3A_3 : i32
    "tpu.region"() ({
      %run_scoped3A = tpu.sem_alloc : memref<!tpu.dma_semaphore, #tpu.memory_space<semaphore_mem>>
      %dma_start3A_34 = arith.constant 0 : i32
      %dma_start3A_35 = tpu.memref_slice %arg6[%mul3A_4, %dma_start3A_34] : memref<10240x128xf32, #tpu.memory_space<vmem_shared>> -> memref<640x128xf32, #tpu.memory_space<vmem_shared>>
      %dma_start3A_36 = arith.constant 0 : i32
      %dma_start3A_37 = tpu.memref_slice %arg4[%mul3A_4, %dma_start3A_36] : memref<10240x128xf32, #tpu.memory_space<hbm>> -> memref<640x128xf32, #tpu.memory_space<hbm>>
      tpu.enqueue_dma source(%dma_start3A_37 : memref<640x128xf32, #tpu.memory_space<hbm>>) target(%dma_start3A_35 : memref<640x128xf32, #tpu.memory_space<vmem_shared>>) target_semaphore(%run_scoped3A : memref<!tpu.dma_semaphore, #tpu.memory_space<semaphore_mem>>)
      %dma_wait3A_38 = arith.constant 0 : i32
      %dma_wait3A_39 = tpu.memref_slice %arg6[%mul3A_4, %dma_wait3A_38] : memref<10240x128xf32, #tpu.memory_space<vmem_shared>> -> memref<640x128xf32, #tpu.memory_space<vmem_shared>>
      %dma_wait3A_40 = arith.constant 0 : i32
      %dma_wait3A_41 = tpu.memref_slice %arg4[%mul3A_4, %dma_wait3A_40] : memref<10240x128xf32, #tpu.memory_space<hbm>> -> memref<640x128xf32, #tpu.memory_space<hbm>>
      tpu.wait_dma2 semaphore(%run_scoped3A : memref<!tpu.dma_semaphore, #tpu.memory_space<semaphore_mem>>) src(%dma_wait3A_41 : memref<640x128xf32, #tpu.memory_space<hbm>>) dst(%dma_wait3A_39 : memref<640x128xf32, #tpu.memory_space<vmem_shared>>)
      tpu.yield
    }) : () -> ()
    %barrier3A = arith.constant 0 : index
    tpu.barrier barrier_id(%barrier3A)
    %add3A_5 = arith.constant 0 : i32
    %add3A_6 = arith.addi %mul3A_2, %add3A_5 : i32
    %dma_start3A = tpu.memref_slice %arg2[%add3A_6] : memref<327680xi32, #tpu.memory_space<hbm>> -> memref<64xi32, #tpu.memory_space<hbm>>
    %dma_start3A_7 = tpu.memref_slice %arg2[%add3A_6] : memref<327680xi32, #tpu.memory_space<hbm>> -> memref<64xi32, #tpu.memory_space<hbm>>
    tpu.enqueue_dma source(%dma_start3A_7 : memref<64xi32, #tpu.memory_space<hbm>>) target(%arg7 : memref<64xi32, #tpu.memory_space<vmem>>) target_semaphore(%arg17 : memref<!tpu.dma_semaphore, #tpu.memory_space<semaphore_mem>>)
    %dma_start3A_8 = tpu.memref_slice %arg3[%add3A_6] : memref<327680xi32, #tpu.memory_space<hbm>> -> memref<64xi32, #tpu.memory_space<hbm>>
    %dma_start3A_9 = tpu.memref_slice %arg3[%add3A_6] : memref<327680xi32, #tpu.memory_space<hbm>> -> memref<64xi32, #tpu.memory_space<hbm>>
    tpu.enqueue_dma source(%dma_start3A_9 : memref<64xi32, #tpu.memory_space<hbm>>) target(%arg8 : memref<64xi32, #tpu.memory_space<vmem>>) target_semaphore(%arg17 : memref<!tpu.dma_semaphore, #tpu.memory_space<semaphore_mem>>)
    %dma_wait3A = tpu.memref_slice %arg2[%mul3A_2] : memref<327680xi32, #tpu.memory_space<hbm>> -> memref<64xi32, #tpu.memory_space<hbm>>
    %dma_wait3A_10 = tpu.memref_slice %arg2[%mul3A_2] : memref<327680xi32, #tpu.memory_space<hbm>> -> memref<64xi32, #tpu.memory_space<hbm>>
    tpu.wait_dma2 semaphore(%arg17 : memref<!tpu.dma_semaphore, #tpu.memory_space<semaphore_mem>>) src(%dma_wait3A_10 : memref<64xi32, #tpu.memory_space<hbm>>) dst(%arg7 : memref<64xi32, #tpu.memory_space<vmem>>)
    %dma_wait3A_11 = tpu.memref_slice %arg3[%mul3A_2] : memref<327680xi32, #tpu.memory_space<hbm>> -> memref<64xi32, #tpu.memory_space<hbm>>
    %dma_wait3A_12 = tpu.memref_slice %arg3[%mul3A_2] : memref<327680xi32, #tpu.memory_space<hbm>> -> memref<64xi32, #tpu.memory_space<hbm>>
    tpu.wait_dma2 semaphore(%arg17 : memref<!tpu.dma_semaphore, #tpu.memory_space<semaphore_mem>>) src(%dma_wait3A_12 : memref<64xi32, #tpu.memory_space<hbm>>) dst(%arg8 : memref<64xi32, #tpu.memory_space<vmem>>)
    %dma_start3A_13 = arith.constant 0 : i32
    %dma_start3A_14 = arith.constant 0 : i32
    %dma_start3A_15 = tpu.memref_slice %arg6[%dma_start3A_13, %dma_start3A_14] : memref<10240x128xf32, #tpu.memory_space<vmem_shared>> -> memref<10240x128xf32, #tpu.memory_space<vmem_shared>>
    tpu.enqueue_indirect_dma source(%dma_start3A_15 : memref<10240x128xf32, #tpu.memory_space<vmem_shared>>) target(%arg11 : memref<64x128xf32, #tpu.memory_space<vmem>>) offsets(%arg7 : memref<64xi32, #tpu.memory_space<vmem>>) semaphore(%arg19 : memref<!tpu.dma_semaphore, #tpu.memory_space<semaphore_mem>>)
    %dma_start3A_16 = arith.constant 0 : i32
    %dma_start3A_17 = arith.constant 0 : i32
    %dma_start3A_18 = tpu.memref_slice %arg6[%dma_start3A_16, %dma_start3A_17] : memref<10240x128xf32, #tpu.memory_space<vmem_shared>> -> memref<10240x128xf32, #tpu.memory_space<vmem_shared>>
    tpu.enqueue_indirect_dma source(%dma_start3A_18 : memref<10240x128xf32, #tpu.memory_space<vmem_shared>>) target(%arg12 : memref<64x128xf32, #tpu.memory_space<vmem>>) offsets(%arg8 : memref<64xi32, #tpu.memory_space<vmem>>) semaphore(%arg19 : memref<!tpu.dma_semaphore, #tpu.memory_space<semaphore_mem>>)
    %add3A_19 = arith.constant 64 : i32
    %add3A_20 = arith.addi %mul3A_2, %add3A_19 : i32
    %dma_start3A_21 = tpu.memref_slice %arg2[%add3A_20] : memref<327680xi32, #tpu.memory_space<hbm>> -> memref<64xi32, #tpu.memory_space<hbm>>
    %dma_start3A_22 = tpu.memref_slice %arg2[%add3A_20] : memref<327680xi32, #tpu.memory_space<hbm>> -> memref<64xi32, #tpu.memory_space<hbm>>
    tpu.enqueue_dma source(%dma_start3A_22 : memref<64xi32, #tpu.memory_space<hbm>>) target(%arg9 : memref<64xi32, #tpu.memory_space<vmem>>) target_semaphore(%arg18 : memref<!tpu.dma_semaphore, #tpu.memory_space<semaphore_mem>>)
    %dma_start3A_23 = tpu.memref_slice %arg3[%add3A_20] : memref<327680xi32, #tpu.memory_space<hbm>> -> memref<64xi32, #tpu.memory_space<hbm>>
    %dma_start3A_24 = tpu.memref_slice %arg3[%add3A_20] : memref<327680xi32, #tpu.memory_space<hbm>> -> memref<64xi32, #tpu.memory_space<hbm>>
    tpu.enqueue_dma source(%dma_start3A_24 : memref<64xi32, #tpu.memory_space<hbm>>) target(%arg10 : memref<64xi32, #tpu.memory_space<vmem>>) target_semaphore(%arg18 : memref<!tpu.dma_semaphore, #tpu.memory_space<semaphore_mem>>)
    %scan3A = arith.constant 0 : i32
    %scan3A_25 = arith.constant 0 : i32
    %scan3A_26 = arith.constant 80 : i32
    %scan3A_27 = arith.addi %scan3A_25, %scan3A_26 : i32
    %scan3A_28 = arith.constant 1 : i32
    scf.for %scan3A_34 = %scan3A_25 to %scan3A_27 step %scan3A_28  : i32 {
      %mul3A_35 = arith.constant 2 : i32
      %mul3A_36 = arith.muli %mul3A_35, %scan3A_34 : i32
      %dma_wait3A_37 = tpu.memref_slice %arg2[%mul3A_2] : memref<327680xi32, #tpu.memory_space<hbm>> -> memref<64xi32, #tpu.memory_space<hbm>>
      %dma_wait3A_38 = tpu.memref_slice %arg2[%mul3A_2] : memref<327680xi32, #tpu.memory_space<hbm>> -> memref<64xi32, #tpu.memory_space<hbm>>
      tpu.wait_dma2 semaphore(%arg18 : memref<!tpu.dma_semaphore, #tpu.memory_space<semaphore_mem>>) src(%dma_wait3A_38 : memref<64xi32, #tpu.memory_space<hbm>>) dst(%arg9 : memref<64xi32, #tpu.memory_space<vmem>>)
      %dma_wait3A_39 = tpu.memref_slice %arg3[%mul3A_2] : memref<327680xi32, #tpu.memory_space<hbm>> -> memref<64xi32, #tpu.memory_space<hbm>>
      %dma_wait3A_40 = tpu.memref_slice %arg3[%mul3A_2] : memref<327680xi32, #tpu.memory_space<hbm>> -> memref<64xi32, #tpu.memory_space<hbm>>
      tpu.wait_dma2 semaphore(%arg18 : memref<!tpu.dma_semaphore, #tpu.memory_space<semaphore_mem>>) src(%dma_wait3A_40 : memref<64xi32, #tpu.memory_space<hbm>>) dst(%arg10 : memref<64xi32, #tpu.memory_space<vmem>>)
      %dma_start3A_41 = arith.constant 0 : i32
      %dma_start3A_42 = arith.constant 0 : i32
      %dma_start3A_43 = tpu.memref_slice %arg6[%dma_start3A_41, %dma_start3A_42] : memref<10240x128xf32, #tpu.memory_space<vmem_shared>> -> memref<10240x128xf32, #tpu.memory_space<vmem_shared>>
      tpu.enqueue_indirect_dma source(%dma_start3A_43 : memref<10240x128xf32, #tpu.memory_space<vmem_shared>>) target(%arg13 : memref<64x128xf32, #tpu.memory_space<vmem>>) offsets(%arg9 : memref<64xi32, #tpu.memory_space<vmem>>) semaphore(%arg20 : memref<!tpu.dma_semaphore, #tpu.memory_space<semaphore_mem>>)
      %dma_start3A_44 = arith.constant 0 : i32
      %dma_start3A_45 = arith.constant 0 : i32
      %dma_start3A_46 = tpu.memref_slice %arg6[%dma_start3A_44, %dma_start3A_45] : memref<10240x128xf32, #tpu.memory_space<vmem_shared>> -> memref<10240x128xf32, #tpu.memory_space<vmem_shared>>
      tpu.enqueue_indirect_dma source(%dma_start3A_46 : memref<10240x128xf32, #tpu.memory_space<vmem_shared>>) target(%arg14 : memref<64x128xf32, #tpu.memory_space<vmem>>) offsets(%arg10 : memref<64xi32, #tpu.memory_space<vmem>>) semaphore(%arg20 : memref<!tpu.dma_semaphore, #tpu.memory_space<semaphore_mem>>)
      %dma_wait3A_47 = arith.constant 0 : i32
      %dma_wait3A_48 = arith.constant 0 : i32
      %dma_wait3A_49 = tpu.memref_slice %arg6[%dma_wait3A_47, %dma_wait3A_48] : memref<10240x128xf32, #tpu.memory_space<vmem_shared>> -> memref<10240x128xf32, #tpu.memory_space<vmem_shared>>
      tpu.wait_indirect_dma semaphore(%arg19 : memref<!tpu.dma_semaphore, #tpu.memory_space<semaphore_mem>>) src(%dma_wait3A_49 : memref<10240x128xf32, #tpu.memory_space<vmem_shared>>) dst(%arg11 : memref<64x128xf32, #tpu.memory_space<vmem>>)
      %dma_wait3A_50 = arith.constant 0 : i32
      %dma_wait3A_51 = arith.constant 0 : i32
      %dma_wait3A_52 = tpu.memref_slice %arg6[%dma_wait3A_50, %dma_wait3A_51] : memref<10240x128xf32, #tpu.memory_space<vmem_shared>> -> memref<10240x128xf32, #tpu.memory_space<vmem_shared>>
      tpu.wait_indirect_dma semaphore(%arg19 : memref<!tpu.dma_semaphore, #tpu.memory_space<semaphore_mem>>) src(%dma_wait3A_52 : memref<10240x128xf32, #tpu.memory_space<vmem_shared>>) dst(%arg12 : memref<64x128xf32, #tpu.memory_space<vmem>>)
      %lt3A = arith.constant 79 : i32
      %lt3A_53 = arith.cmpi slt, %scan3A_34, %lt3A : i32
      %convert_element_type3A = arith.extui %lt3A_53 : i1 to i32
      %cond3A = arith.constant 0 : i32
      %cond3A_54 = arith.cmpi ne, %convert_element_type3A, %cond3A : i32
      scf.if %cond3A_54 {
        %add3A_159 = arith.constant 2 : i32
        %add3A_160 = arith.addi %mul3A_36, %add3A_159 : i32
        %mul3A_161 = arith.constant 64 : i32
        %mul3A_162 = arith.muli %add3A_160, %mul3A_161 : i32
        %add3A_163 = arith.addi %mul3A_2, %mul3A_162 : i32
        %dma_start3A_164 = tpu.memref_slice %arg2[%add3A_163] : memref<327680xi32, #tpu.memory_space<hbm>> -> memref<64xi32, #tpu.memory_space<hbm>>
        %dma_start3A_165 = tpu.memref_slice %arg2[%add3A_163] : memref<327680xi32, #tpu.memory_space<hbm>> -> memref<64xi32, #tpu.memory_space<hbm>>
        tpu.enqueue_dma source(%dma_start3A_165 : memref<64xi32, #tpu.memory_space<hbm>>) target(%arg7 : memref<64xi32, #tpu.memory_space<vmem>>) target_semaphore(%arg17 : memref<!tpu.dma_semaphore, #tpu.memory_space<semaphore_mem>>)
        %dma_start3A_166 = tpu.memref_slice %arg3[%add3A_163] : memref<327680xi32, #tpu.memory_space<hbm>> -> memref<64xi32, #tpu.memory_space<hbm>>
        %dma_start3A_167 = tpu.memref_slice %arg3[%add3A_163] : memref<327680xi32, #tpu.memory_space<hbm>> -> memref<64xi32, #tpu.memory_space<hbm>>
        tpu.enqueue_dma source(%dma_start3A_167 : memref<64xi32, #tpu.memory_space<hbm>>) target(%arg8 : memref<64xi32, #tpu.memory_space<vmem>>) target_semaphore(%arg17 : memref<!tpu.dma_semaphore, #tpu.memory_space<semaphore_mem>>)
      } else {
      }
      %iota3A = tpu.iota {dimensions = array<i32: 0>} : vector<16xi32>
      %add3A_55 = arith.constant 0 : i32
      %add3A_56 = vector.broadcast %add3A_55 : i32 to vector<16xi32>
      %add3A_57 = arith.addi %iota3A, %add3A_56 : vector<16xi32>
      %add3A_58 = arith.constant 16 : i32
      %add3A_59 = vector.broadcast %add3A_58 : i32 to vector<16xi32>
      %add3A_60 = arith.addi %iota3A, %add3A_59 : vector<16xi32>
      %add3A_61 = arith.constant 32 : i32
      %add3A_62 = vector.broadcast %add3A_61 : i32 to vector<16xi32>
      %add3A_63 = arith.addi %iota3A, %add3A_62 : vector<16xi32>
      %add3A_64 = arith.constant 48 : i32
      %add3A_65 = vector.broadcast %add3A_64 : i32 to vector<16xi32>
      %add3A_66 = arith.addi %iota3A, %add3A_65 : vector<16xi32>
      %broadcast_in_dim3A = arith.constant 0.000000e+00 : f32
      %broadcast_in_dim3A_67 = vector.broadcast %broadcast_in_dim3A : f32 to vector<16xf32>
      %broadcast_in_dim3A_68 = arith.constant 0.000000e+00 : f32
      %broadcast_in_dim3A_69 = vector.broadcast %broadcast_in_dim3A_68 : f32 to vector<16xf32>
      %broadcast_in_dim3A_70 = arith.constant 0.000000e+00 : f32
      %broadcast_in_dim3A_71 = vector.broadcast %broadcast_in_dim3A_70 : f32 to vector<16xf32>
      %broadcast_in_dim3A_72 = arith.constant 0.000000e+00 : f32
      %broadcast_in_dim3A_73 = vector.broadcast %broadcast_in_dim3A_72 : f32 to vector<16xf32>
      %scan3A_74 = arith.constant 0 : i32
      %scan3A_75 = arith.constant 16 : i32
      %scan3A_76 = arith.addi %scan3A_74, %scan3A_75 : i32
      %scan3A_77 = arith.constant 1 : i32
      %scan3A_78:4 = scf.for %scan3A_159 = %scan3A_74 to %scan3A_76 step %scan3A_77 iter_args(%scan3A_160 = %broadcast_in_dim3A_67, %scan3A_161 = %broadcast_in_dim3A_69, %scan3A_162 = %broadcast_in_dim3A_71, %scan3A_163 = %broadcast_in_dim3A_73) -> (vector<16xf32>, vector<16xf32>, vector<16xf32>, vector<16xf32>)  : i32 {
        %mul3A_164 = arith.constant 8 : i32
        %mul3A_165 = arith.muli %scan3A_159, %mul3A_164 : i32
        %add3A_166 = arith.constant 0 : i32
        %add3A_167 = arith.addi %mul3A_165, %add3A_166 : i32
        %add3A_168 = vector.broadcast %add3A_167 : i32 to vector<16xi32>
        %add3A_169 = arith.addi %iota3A, %add3A_168 : vector<16xi32>
        %and3A = arith.constant 127 : i32
        %and3A_170 = vector.broadcast %and3A : i32 to vector<16xi32>
        %and3A_171 = arith.andi %add3A_169, %and3A_170 : vector<16xi32>
        %gather3A = tpu.vector_load_idx %arg11[%add3A_57, %and3A_171] : memref<64x128xf32, #tpu.memory_space<vmem>>[vector<16xi32>, vector<16xi32>], vector<16xf32>,
        %gather3A_172 = tpu.vector_load_idx %arg12[%add3A_57, %and3A_171] : memref<64x128xf32, #tpu.memory_space<vmem>>[vector<16xi32>, vector<16xi32>], vector<16xf32>,
        %mul3A_173 = arith.mulf %gather3A, %gather3A_172 : vector<16xf32>
        %add3A_174 = arith.addf %scan3A_160, %mul3A_173 : vector<16xf32>
        %gather3A_175 = tpu.vector_load_idx %arg11[%add3A_60, %and3A_171] : memref<64x128xf32, #tpu.memory_space<vmem>>[vector<16xi32>, vector<16xi32>], vector<16xf32>,
        %gather3A_176 = tpu.vector_load_idx %arg12[%add3A_60, %and3A_171] : memref<64x128xf32, #tpu.memory_space<vmem>>[vector<16xi32>, vector<16xi32>], vector<16xf32>,
        %mul3A_177 = arith.mulf %gather3A_175, %gather3A_176 : vector<16xf32>
        %add3A_178 = arith.addf %scan3A_161, %mul3A_177 : vector<16xf32>
        %gather3A_179 = tpu.vector_load_idx %arg11[%add3A_63, %and3A_171] : memref<64x128xf32, #tpu.memory_space<vmem>>[vector<16xi32>, vector<16xi32>], vector<16xf32>,
        %gather3A_180 = tpu.vector_load_idx %arg12[%add3A_63, %and3A_171] : memref<64x128xf32, #tpu.memory_space<vmem>>[vector<16xi32>, vector<16xi32>], vector<16xf32>,
        %mul3A_181 = arith.mulf %gather3A_179, %gather3A_180 : vector<16xf32>
        %add3A_182 = arith.addf %scan3A_162, %mul3A_181 : vector<16xf32>
        %gather3A_183 = tpu.vector_load_idx %arg11[%add3A_66, %and3A_171] : memref<64x128xf32, #tpu.memory_space<vmem>>[vector<16xi32>, vector<16xi32>], vector<16xf32>,
        %gather3A_184 = tpu.vector_load_idx %arg12[%add3A_66, %and3A_171] : memref<64x128xf32, #tpu.memory_space<vmem>>[vector<16xi32>, vector<16xi32>], vector<16xf32>,
        %mul3A_185 = arith.mulf %gather3A_183, %gather3A_184 : vector<16xf32>
        %add3A_186 = arith.addf %scan3A_163, %mul3A_185 : vector<16xf32>
        %add3A_187 = arith.constant 1 : i32
        %add3A_188 = arith.addi %mul3A_165, %add3A_187 : i32
        %add3A_189 = vector.broadcast %add3A_188 : i32 to vector<16xi32>
        %add3A_190 = arith.addi %iota3A, %add3A_189 : vector<16xi32>
        %and3A_191 = arith.constant 127 : i32
        %and3A_192 = vector.broadcast %and3A_191 : i32 to vector<16xi32>
        %and3A_193 = arith.andi %add3A_190, %and3A_192 : vector<16xi32>
        %gather3A_194 = tpu.vector_load_idx %arg11[%add3A_57, %and3A_193] : memref<64x128xf32, #tpu.memory_space<vmem>>[vector<16xi32>, vector<16xi32>], vector<16xf32>,
        %gather3A_195 = tpu.vector_load_idx %arg12[%add3A_57, %and3A_193] : memref<64x128xf32, #tpu.memory_space<vmem>>[vector<16xi32>, vector<16xi32>], vector<16xf32>,
        %mul3A_196 = arith.mulf %gather3A_194, %gather3A_195 : vector<16xf32>
        %add3A_197 = arith.addf %add3A_174, %mul3A_196 : vector<16xf32>
        %gather3A_198 = tpu.vector_load_idx %arg11[%add3A_60, %and3A_193] : memref<64x128xf32, #tpu.memory_space<vmem>>[vector<16xi32>, vector<16xi32>], vector<16xf32>,
        %gather3A_199 = tpu.vector_load_idx %arg12[%add3A_60, %and3A_193] : memref<64x128xf32, #tpu.memory_space<vmem>>[vector<16xi32>, vector<16xi32>], vector<16xf32>,
        %mul3A_200 = arith.mulf %gather3A_198, %gather3A_199 : vector<16xf32>
        %add3A_201 = arith.addf %add3A_178, %mul3A_200 : vector<16xf32>
        %gather3A_202 = tpu.vector_load_idx %arg11[%add3A_63, %and3A_193] : memref<64x128xf32, #tpu.memory_space<vmem>>[vector<16xi32>, vector<16xi32>], vector<16xf32>,
        %gather3A_203 = tpu.vector_load_idx %arg12[%add3A_63, %and3A_193] : memref<64x128xf32, #tpu.memory_space<vmem>>[vector<16xi32>, vector<16xi32>], vector<16xf32>,
        %mul3A_204 = arith.mulf %gather3A_202, %gather3A_203 : vector<16xf32>
        %add3A_205 = arith.addf %add3A_182, %mul3A_204 : vector<16xf32>
        %gather3A_206 = tpu.vector_load_idx %arg11[%add3A_66, %and3A_193] : memref<64x128xf32, #tpu.memory_space<vmem>>[vector<16xi32>, vector<16xi32>], vector<16xf32>,
        %gather3A_207 = tpu.vector_load_idx %arg12[%add3A_66, %and3A_193] : memref<64x128xf32, #tpu.memory_space<vmem>>[vector<16xi32>, vector<16xi32>], vector<16xf32>,
        %mul3A_208 = arith.mulf %gather3A_206, %gather3A_207 : vector<16xf32>
        %add3A_209 = arith.addf %add3A_186, %mul3A_208 : vector<16xf32>
        %add3A_210 = arith.constant 2 : i32
        %add3A_211 = arith.addi %mul3A_165, %add3A_210 : i32
        %add3A_212 = vector.broadcast %add3A_211 : i32 to vector<16xi32>
        %add3A_213 = arith.addi %iota3A, %add3A_212 : vector<16xi32>
        %and3A_214 = arith.constant 127 : i32
        %and3A_215 = vector.broadcast %and3A_214 : i32 to vector<16xi32>
        %and3A_216 = arith.andi %add3A_213, %and3A_215 : vector<16xi32>
        %gather3A_217 = tpu.vector_load_idx %arg11[%add3A_57, %and3A_216] : memref<64x128xf32, #tpu.memory_space<vmem>>[vector<16xi32>, vector<16xi32>], vector<16xf32>,
        %gather3A_218 = tpu.vector_load_idx %arg12[%add3A_57, %and3A_216] : memref<64x128xf32, #tpu.memory_space<vmem>>[vector<16xi32>, vector<16xi32>], vector<16xf32>,
        %mul3A_219 = arith.mulf %gather3A_217, %gather3A_218 : vector<16xf32>
        %add3A_220 = arith.addf %add3A_197, %mul3A_219 : vector<16xf32>
        %gather3A_221 = tpu.vector_load_idx %arg11[%add3A_60, %and3A_216] : memref<64x128xf32, #tpu.memory_space<vmem>>[vector<16xi32>, vector<16xi32>], vector<16xf32>,
        %gather3A_222 = tpu.vector_load_idx %arg12[%add3A_60, %and3A_216] : memref<64x128xf32, #tpu.memory_space<vmem>>[vector<16xi32>, vector<16xi32>], vector<16xf32>,
        %mul3A_223 = arith.mulf %gather3A_221, %gather3A_222 : vector<16xf32>
        %add3A_224 = arith.addf %add3A_201, %mul3A_223 : vector<16xf32>
        %gather3A_225 = tpu.vector_load_idx %arg11[%add3A_63, %and3A_216] : memref<64x128xf32, #tpu.memory_space<vmem>>[vector<16xi32>, vector<16xi32>], vector<16xf32>,
        %gather3A_226 = tpu.vector_load_idx %arg12[%add3A_63, %and3A_216] : memref<64x128xf32, #tpu.memory_space<vmem>>[vector<16xi32>, vector<16xi32>], vector<16xf32>,
        %mul3A_227 = arith.mulf %gather3A_225, %gather3A_226 : vector<16xf32>
        %add3A_228 = arith.addf %add3A_205, %mul3A_227 : vector<16xf32>
        %gather3A_229 = tpu.vector_load_idx %arg11[%add3A_66, %and3A_216] : memref<64x128xf32, #tpu.memory_space<vmem>>[vector<16xi32>, vector<16xi32>], vector<16xf32>,
        %gather3A_230 = tpu.vector_load_idx %arg12[%add3A_66, %and3A_216] : memref<64x128xf32, #tpu.memory_space<vmem>>[vector<16xi32>, vector<16xi32>], vector<16xf32>,
        %mul3A_231 = arith.mulf %gather3A_229, %gather3A_230 : vector<16xf32>
        %add3A_232 = arith.addf %add3A_209, %mul3A_231 : vector<16xf32>
        %add3A_233 = arith.constant 3 : i32
        %add3A_234 = arith.addi %mul3A_165, %add3A_233 : i32
        %add3A_235 = vector.broadcast %add3A_234 : i32 to vector<16xi32>
        %add3A_236 = arith.addi %iota3A, %add3A_235 : vector<16xi32>
        %and3A_237 = arith.constant 127 : i32
        %and3A_238 = vector.broadcast %and3A_237 : i32 to vector<16xi32>
        %and3A_239 = arith.andi %add3A_236, %and3A_238 : vector<16xi32>
        %gather3A_240 = tpu.vector_load_idx %arg11[%add3A_57, %and3A_239] : memref<64x128xf32, #tpu.memory_space<vmem>>[vector<16xi32>, vector<16xi32>], vector<16xf32>,
        %gather3A_241 = tpu.vector_load_idx %arg12[%add3A_57, %and3A_239] : memref<64x128xf32, #tpu.memory_space<vmem>>[vector<16xi32>, vector<16xi32>], vector<16xf32>,
        %mul3A_242 = arith.mulf %gather3A_240, %gather3A_241 : vector<16xf32>
        %add3A_243 = arith.addf %add3A_220, %mul3A_242 : vector<16xf32>
        %gather3A_244 = tpu.vector_load_idx %arg11[%add3A_60, %and3A_239] : memref<64x128xf32, #tpu.memory_space<vmem>>[vector<16xi32>, vector<16xi32>], vector<16xf32>,
        %gather3A_245 = tpu.vector_load_idx %arg12[%add3A_60, %and3A_239] : memref<64x128xf32, #tpu.memory_space<vmem>>[vector<16xi32>, vector<16xi32>], vector<16xf32>,
        %mul3A_246 = arith.mulf %gather3A_244, %gather3A_245 : vector<16xf32>
        %add3A_247 = arith.addf %add3A_224, %mul3A_246 : vector<16xf32>
        %gather3A_248 = tpu.vector_load_idx %arg11[%add3A_63, %and3A_239] : memref<64x128xf32, #tpu.memory_space<vmem>>[vector<16xi32>, vector<16xi32>], vector<16xf32>,
        %gather3A_249 = tpu.vector_load_idx %arg12[%add3A_63, %and3A_239] : memref<64x128xf32, #tpu.memory_space<vmem>>[vector<16xi32>, vector<16xi32>], vector<16xf32>,
        %mul3A_250 = arith.mulf %gather3A_248, %gather3A_249 : vector<16xf32>
        %add3A_251 = arith.addf %add3A_228, %mul3A_250 : vector<16xf32>
        %gather3A_252 = tpu.vector_load_idx %arg11[%add3A_66, %and3A_239] : memref<64x128xf32, #tpu.memory_space<vmem>>[vector<16xi32>, vector<16xi32>], vector<16xf32>,
        %gather3A_253 = tpu.vector_load_idx %arg12[%add3A_66, %and3A_239] : memref<64x128xf32, #tpu.memory_space<vmem>>[vector<16xi32>, vector<16xi32>], vector<16xf32>,
        %mul3A_254 = arith.mulf %gather3A_252, %gather3A_253 : vector<16xf32>
        %add3A_255 = arith.addf %add3A_232, %mul3A_254 : vector<16xf32>
        %add3A_256 = arith.constant 4 : i32
        %add3A_257 = arith.addi %mul3A_165, %add3A_256 : i32
        %add3A_258 = vector.broadcast %add3A_257 : i32 to vector<16xi32>
        %add3A_259 = arith.addi %iota3A, %add3A_258 : vector<16xi32>
        %and3A_260 = arith.constant 127 : i32
        %and3A_261 = vector.broadcast %and3A_260 : i32 to vector<16xi32>
        %and3A_262 = arith.andi %add3A_259, %and3A_261 : vector<16xi32>
        %gather3A_263 = tpu.vector_load_idx %arg11[%add3A_57, %and3A_262] : memref<64x128xf32, #tpu.memory_space<vmem>>[vector<16xi32>, vector<16xi32>], vector<16xf32>,
        %gather3A_264 = tpu.vector_load_idx %arg12[%add3A_57, %and3A_262] : memref<64x128xf32, #tpu.memory_space<vmem>>[vector<16xi32>, vector<16xi32>], vector<16xf32>,
        %mul3A_265 = arith.mulf %gather3A_263, %gather3A_264 : vector<16xf32>
        %add3A_266 = arith.addf %add3A_243, %mul3A_265 : vector<16xf32>
        %gather3A_267 = tpu.vector_load_idx %arg11[%add3A_60, %and3A_262] : memref<64x128xf32, #tpu.memory_space<vmem>>[vector<16xi32>, vector<16xi32>], vector<16xf32>,
        %gather3A_268 = tpu.vector_load_idx %arg12[%add3A_60, %and3A_262] : memref<64x128xf32, #tpu.memory_space<vmem>>[vector<16xi32>, vector<16xi32>], vector<16xf32>,
        %mul3A_269 = arith.mulf %gather3A_267, %gather3A_268 : vector<16xf32>
        %add3A_270 = arith.addf %add3A_247, %mul3A_269 : vector<16xf32>
        %gather3A_271 = tpu.vector_load_idx %arg11[%add3A_63, %and3A_262] : memref<64x128xf32, #tpu.memory_space<vmem>>[vector<16xi32>, vector<16xi32>], vector<16xf32>,
        %gather3A_272 = tpu.vector_load_idx %arg12[%add3A_63, %and3A_262] : memref<64x128xf32, #tpu.memory_space<vmem>>[vector<16xi32>, vector<16xi32>], vector<16xf32>,
        %mul3A_273 = arith.mulf %gather3A_271, %gather3A_272 : vector<16xf32>
        %add3A_274 = arith.addf %add3A_251, %mul3A_273 : vector<16xf32>
        %gather3A_275 = tpu.vector_load_idx %arg11[%add3A_66, %and3A_262] : memref<64x128xf32, #tpu.memory_space<vmem>>[vector<16xi32>, vector<16xi32>], vector<16xf32>,
        %gather3A_276 = tpu.vector_load_idx %arg12[%add3A_66, %and3A_262] : memref<64x128xf32, #tpu.memory_space<vmem>>[vector<16xi32>, vector<16xi32>], vector<16xf32>,
        %mul3A_277 = arith.mulf %gather3A_275, %gather3A_276 : vector<16xf32>
        %add3A_278 = arith.addf %add3A_255, %mul3A_277 : vector<16xf32>
        %add3A_279 = arith.constant 5 : i32
        %add3A_280 = arith.addi %mul3A_165, %add3A_279 : i32
        %add3A_281 = vector.broadcast %add3A_280 : i32 to vector<16xi32>
        %add3A_282 = arith.addi %iota3A, %add3A_281 : vector<16xi32>
        %and3A_283 = arith.constant 127 : i32
        %and3A_284 = vector.broadcast %and3A_283 : i32 to vector<16xi32>
        %and3A_285 = arith.andi %add3A_282, %and3A_284 : vector<16xi32>
        %gather3A_286 = tpu.vector_load_idx %arg11[%add3A_57, %and3A_285] : memref<64x128xf32, #tpu.memory_space<vmem>>[vector<16xi32>, vector<16xi32>], vector<16xf32>,
        %gather3A_287 = tpu.vector_load_idx %arg12[%add3A_57, %and3A_285] : memref<64x128xf32, #tpu.memory_space<vmem>>[vector<16xi32>, vector<16xi32>], vector<16xf32>,
        %mul3A_288 = arith.mulf %gather3A_286, %gather3A_287 : vector<16xf32>
        %add3A_289 = arith.addf %add3A_266, %mul3A_288 : vector<16xf32>
        %gather3A_290 = tpu.vector_load_idx %arg11[%add3A_60, %and3A_285] : memref<64x128xf32, #tpu.memory_space<vmem>>[vector<16xi32>, vector<16xi32>], vector<16xf32>,
        %gather3A_291 = tpu.vector_load_idx %arg12[%add3A_60, %and3A_285] : memref<64x128xf32, #tpu.memory_space<vmem>>[vector<16xi32>, vector<16xi32>], vector<16xf32>,
        %mul3A_292 = arith.mulf %gather3A_290, %gather3A_291 : vector<16xf32>
        %add3A_293 = arith.addf %add3A_270, %mul3A_292 : vector<16xf32>
        %gather3A_294 = tpu.vector_load_idx %arg11[%add3A_63, %and3A_285] : memref<64x128xf32, #tpu.memory_space<vmem>>[vector<16xi32>, vector<16xi32>], vector<16xf32>,
        %gather3A_295 = tpu.vector_load_idx %arg12[%add3A_63, %and3A_285] : memref<64x128xf32, #tpu.memory_space<vmem>>[vector<16xi32>, vector<16xi32>], vector<16xf32>,
        %mul3A_296 = arith.mulf %gather3A_294, %gather3A_295 : vector<16xf32>
        %add3A_297 = arith.addf %add3A_274, %mul3A_296 : vector<16xf32>
        %gather3A_298 = tpu.vector_load_idx %arg11[%add3A_66, %and3A_285] : memref<64x128xf32, #tpu.memory_space<vmem>>[vector<16xi32>, vector<16xi32>], vector<16xf32>,
        %gather3A_299 = tpu.vector_load_idx %arg12[%add3A_66, %and3A_285] : memref<64x128xf32, #tpu.memory_space<vmem>>[vector<16xi32>, vector<16xi32>], vector<16xf32>,
        %mul3A_300 = arith.mulf %gather3A_298, %gather3A_299 : vector<16xf32>
        %add3A_301 = arith.addf %add3A_278, %mul3A_300 : vector<16xf32>
        %add3A_302 = arith.constant 6 : i32
        %add3A_303 = arith.addi %mul3A_165, %add3A_302 : i32
        %add3A_304 = vector.broadcast %add3A_303 : i32 to vector<16xi32>
        %add3A_305 = arith.addi %iota3A, %add3A_304 : vector<16xi32>
        %and3A_306 = arith.constant 127 : i32
        %and3A_307 = vector.broadcast %and3A_306 : i32 to vector<16xi32>
        %and3A_308 = arith.andi %add3A_305, %and3A_307 : vector<16xi32>
        %gather3A_309 = tpu.vector_load_idx %arg11[%add3A_57, %and3A_308] : memref<64x128xf32, #tpu.memory_space<vmem>>[vector<16xi32>, vector<16xi32>], vector<16xf32>,
        %gather3A_310 = tpu.vector_load_idx %arg12[%add3A_57, %and3A_308] : memref<64x128xf32, #tpu.memory_space<vmem>>[vector<16xi32>, vector<16xi32>], vector<16xf32>,
        %mul3A_311 = arith.mulf %gather3A_309, %gather3A_310 : vector<16xf32>
        %add3A_312 = arith.addf %add3A_289, %mul3A_311 : vector<16xf32>
        %gather3A_313 = tpu.vector_load_idx %arg11[%add3A_60, %and3A_308] : memref<64x128xf32, #tpu.memory_space<vmem>>[vector<16xi32>, vector<16xi32>], vector<16xf32>,
        %gather3A_314 = tpu.vector_load_idx %arg12[%add3A_60, %and3A_308] : memref<64x128xf32, #tpu.memory_space<vmem>>[vector<16xi32>, vector<16xi32>], vector<16xf32>,
        %mul3A_315 = arith.mulf %gather3A_313, %gather3A_314 : vector<16xf32>
        %add3A_316 = arith.addf %add3A_293, %mul3A_315 : vector<16xf32>
        %gather3A_317 = tpu.vector_load_idx %arg11[%add3A_63, %and3A_308] : memref<64x128xf32, #tpu.memory_space<vmem>>[vector<16xi32>, vector<16xi32>], vector<16xf32>,
        %gather3A_318 = tpu.vector_load_idx %arg12[%add3A_63, %and3A_308] : memref<64x128xf32, #tpu.memory_space<vmem>>[vector<16xi32>, vector<16xi32>], vector<16xf32>,
        %mul3A_319 = arith.mulf %gather3A_317, %gather3A_318 : vector<16xf32>
        %add3A_320 = arith.addf %add3A_297, %mul3A_319 : vector<16xf32>
        %gather3A_321 = tpu.vector_load_idx %arg11[%add3A_66, %and3A_308] : memref<64x128xf32, #tpu.memory_space<vmem>>[vector<16xi32>, vector<16xi32>], vector<16xf32>,
        %gather3A_322 = tpu.vector_load_idx %arg12[%add3A_66, %and3A_308] : memref<64x128xf32, #tpu.memory_space<vmem>>[vector<16xi32>, vector<16xi32>], vector<16xf32>,
        %mul3A_323 = arith.mulf %gather3A_321, %gather3A_322 : vector<16xf32>
        %add3A_324 = arith.addf %add3A_301, %mul3A_323 : vector<16xf32>
        %add3A_325 = arith.constant 7 : i32
        %add3A_326 = arith.addi %mul3A_165, %add3A_325 : i32
        %add3A_327 = vector.broadcast %add3A_326 : i32 to vector<16xi32>
        %add3A_328 = arith.addi %iota3A, %add3A_327 : vector<16xi32>
        %and3A_329 = arith.constant 127 : i32
        %and3A_330 = vector.broadcast %and3A_329 : i32 to vector<16xi32>
        %and3A_331 = arith.andi %add3A_328, %and3A_330 : vector<16xi32>
        %gather3A_332 = tpu.vector_load_idx %arg11[%add3A_57, %and3A_331] : memref<64x128xf32, #tpu.memory_space<vmem>>[vector<16xi32>, vector<16xi32>], vector<16xf32>,
        %gather3A_333 = tpu.vector_load_idx %arg12[%add3A_57, %and3A_331] : memref<64x128xf32, #tpu.memory_space<vmem>>[vector<16xi32>, vector<16xi32>], vector<16xf32>,
        %mul3A_334 = arith.mulf %gather3A_332, %gather3A_333 : vector<16xf32>
        %add3A_335 = arith.addf %add3A_312, %mul3A_334 : vector<16xf32>
        %gather3A_336 = tpu.vector_load_idx %arg11[%add3A_60, %and3A_331] : memref<64x128xf32, #tpu.memory_space<vmem>>[vector<16xi32>, vector<16xi32>], vector<16xf32>,
        %gather3A_337 = tpu.vector_load_idx %arg12[%add3A_60, %and3A_331] : memref<64x128xf32, #tpu.memory_space<vmem>>[vector<16xi32>, vector<16xi32>], vector<16xf32>,
        %mul3A_338 = arith.mulf %gather3A_336, %gather3A_337 : vector<16xf32>
        %add3A_339 = arith.addf %add3A_316, %mul3A_338 : vector<16xf32>
        %gather3A_340 = tpu.vector_load_idx %arg11[%add3A_63, %and3A_331] : memref<64x128xf32, #tpu.memory_space<vmem>>[vector<16xi32>, vector<16xi32>], vector<16xf32>,
        %gather3A_341 = tpu.vector_load_idx %arg12[%add3A_63, %and3A_331] : memref<64x128xf32, #tpu.memory_space<vmem>>[vector<16xi32>, vector<16xi32>], vector<16xf32>,
        %mul3A_342 = arith.mulf %gather3A_340, %gather3A_341 : vector<16xf32>
        %add3A_343 = arith.addf %add3A_320, %mul3A_342 : vector<16xf32>
        %gather3A_344 = tpu.vector_load_idx %arg11[%add3A_66, %and3A_331] : memref<64x128xf32, #tpu.memory_space<vmem>>[vector<16xi32>, vector<16xi32>], vector<16xf32>,
        %gather3A_345 = tpu.vector_load_idx %arg12[%add3A_66, %and3A_331] : memref<64x128xf32, #tpu.memory_space<vmem>>[vector<16xi32>, vector<16xi32>], vector<16xf32>,
        %mul3A_346 = arith.mulf %gather3A_344, %gather3A_345 : vector<16xf32>
        %add3A_347 = arith.addf %add3A_324, %mul3A_346 : vector<16xf32>
        scf.yield %add3A_335, %add3A_339, %add3A_343, %add3A_347 : vector<16xf32>, vector<16xf32>, vector<16xf32>, vector<16xf32>
      }
      %scan3A_79 = arith.constant 16 : i32
      %ge3A = arith.constant 2 : i32
      %ge3A_80 = arith.cmpi sge, %mul3A_36, %ge3A : i32
      %convert_element_type3A_81 = arith.extui %ge3A_80 : i1 to i32
      %cond3A_82 = arith.constant 0 : i32
      %cond3A_83 = arith.cmpi ne, %convert_element_type3A_81, %cond3A_82 : i32
      scf.if %cond3A_83 {
        %dma_wait3A_159 = tpu.memref_slice %arg5[%mul3A_2] : memref<327680xf32, #tpu.memory_space<hbm>> -> memref<64xf32, #tpu.memory_space<hbm>>
        %dma_wait3A_160 = tpu.memref_slice %arg5[%mul3A_2] : memref<327680xf32, #tpu.memory_space<hbm>> -> memref<64xf32, #tpu.memory_space<hbm>>
        tpu.wait_dma2 semaphore(%arg21 : memref<!tpu.dma_semaphore, #tpu.memory_space<semaphore_mem>>) src(%arg15 : memref<64xf32, #tpu.memory_space<vmem>>) dst(%dma_wait3A_160 : memref<64xf32, #tpu.memory_space<hbm>>)
      } else {
      }
      %swap3A = arith.constant 0 : index
      %swap3A_84 = tpu.vector_load %arg15[%swap3A] {strides = array<i32>} : memref<64xf32, #tpu.memory_space<vmem>>, vector<16xf32>,
      tpu.vector_store %arg15[%swap3A], %scan3A_78#0 {strides = array<i32>} : memref<64xf32, #tpu.memory_space<vmem>>, vector<16xf32>,
      %swap3A_85 = arith.constant 16 : index
      %swap3A_86 = tpu.vector_load %arg15[%swap3A_85] {strides = array<i32>} : memref<64xf32, #tpu.memory_space<vmem>>, vector<16xf32>,
      tpu.vector_store %arg15[%swap3A_85], %scan3A_78#1 {strides = array<i32>} : memref<64xf32, #tpu.memory_space<vmem>>, vector<16xf32>,
      %swap3A_87 = arith.constant 32 : index
      %swap3A_88 = tpu.vector_load %arg15[%swap3A_87] {strides = array<i32>} : memref<64xf32, #tpu.memory_space<vmem>>, vector<16xf32>,
      tpu.vector_store %arg15[%swap3A_87], %scan3A_78#2 {strides = array<i32>} : memref<64xf32, #tpu.memory_space<vmem>>, vector<16xf32>,
      %swap3A_89 = arith.constant 48 : index
      %swap3A_90 = tpu.vector_load %arg15[%swap3A_89] {strides = array<i32>} : memref<64xf32, #tpu.memory_space<vmem>>, vector<16xf32>,
      tpu.vector_store %arg15[%swap3A_89], %scan3A_78#3 {strides = array<i32>} : memref<64xf32, #tpu.memory_space<vmem>>, vector<16xf32>,
      %mul3A_91 = arith.constant 64 : i32
      %mul3A_92 = arith.muli %mul3A_36, %mul3A_91 : i32
      %add3A_93 = arith.addi %mul3A_2, %mul3A_92 : i32
      %dma_start3A_94 = tpu.memref_slice %arg5[%add3A_93] : memref<327680xf32, #tpu.memory_space<hbm>> -> memref<64xf32, #tpu.memory_space<hbm>>
      %dma_start3A_95 = tpu.memref_slice %arg5[%add3A_93] : memref<327680xf32, #tpu.memory_space<hbm>> -> memref<64xf32, #tpu.memory_space<hbm>>
      tpu.enqueue_dma source(%arg15 : memref<64xf32, #tpu.memory_space<vmem>>) target(%dma_start3A_95 : memref<64xf32, #tpu.memory_space<hbm>>) target_semaphore(%arg21 : memref<!tpu.dma_semaphore, #tpu.memory_space<semaphore_mem>>)
      %lt3A_96 = arith.constant 79 : i32
      %lt3A_97 = arith.cmpi slt, %scan3A_34, %lt3A_96 : i32
      %convert_element_type3A_98 = arith.extui %lt3A_97 : i1 to i32
      %cond3A_99 = arith.constant 0 : i32
      %cond3A_100 = arith.cmpi ne, %convert_element_type3A_98, %cond3A_99 : i32
      scf.if %cond3A_100 {
        %dma_wait3A_159 = tpu.memref_slice %arg2[%mul3A_2] : memref<327680xi32, #tpu.memory_space<hbm>> -> memref<64xi32, #tpu.memory_space<hbm>>
        %dma_wait3A_160 = tpu.memref_slice %arg2[%mul3A_2] : memref<327680xi32, #tpu.memory_space<hbm>> -> memref<64xi32, #tpu.memory_space<hbm>>
        tpu.wait_dma2 semaphore(%arg17 : memref<!tpu.dma_semaphore, #tpu.memory_space<semaphore_mem>>) src(%dma_wait3A_160 : memref<64xi32, #tpu.memory_space<hbm>>) dst(%arg7 : memref<64xi32, #tpu.memory_space<vmem>>)
        %dma_wait3A_161 = tpu.memref_slice %arg3[%mul3A_2] : memref<327680xi32, #tpu.memory_space<hbm>> -> memref<64xi32, #tpu.memory_space<hbm>>
        %dma_wait3A_162 = tpu.memref_slice %arg3[%mul3A_2] : memref<327680xi32, #tpu.memory_space<hbm>> -> memref<64xi32, #tpu.memory_space<hbm>>
        tpu.wait_dma2 semaphore(%arg17 : memref<!tpu.dma_semaphore, #tpu.memory_space<semaphore_mem>>) src(%dma_wait3A_162 : memref<64xi32, #tpu.memory_space<hbm>>) dst(%arg8 : memref<64xi32, #tpu.memory_space<vmem>>)
        %dma_start3A_163 = arith.constant 0 : i32
        %dma_start3A_164 = arith.constant 0 : i32
        %dma_start3A_165 = tpu.memref_slice %arg6[%dma_start3A_163, %dma_start3A_164] : memref<10240x128xf32, #tpu.memory_space<vmem_shared>> -> memref<10240x128xf32, #tpu.memory_space<vmem_shared>>
        tpu.enqueue_indirect_dma source(%dma_start3A_165 : memref<10240x128xf32, #tpu.memory_space<vmem_shared>>) target(%arg11 : memref<64x128xf32, #tpu.memory_space<vmem>>) offsets(%arg7 : memref<64xi32, #tpu.memory_space<vmem>>) semaphore(%arg19 : memref<!tpu.dma_semaphore, #tpu.memory_space<semaphore_mem>>)
        %dma_start3A_166 = arith.constant 0 : i32
        %dma_start3A_167 = arith.constant 0 : i32
        %dma_start3A_168 = tpu.memref_slice %arg6[%dma_start3A_166, %dma_start3A_167] : memref<10240x128xf32, #tpu.memory_space<vmem_shared>> -> memref<10240x128xf32, #tpu.memory_space<vmem_shared>>
        tpu.enqueue_indirect_dma source(%dma_start3A_168 : memref<10240x128xf32, #tpu.memory_space<vmem_shared>>) target(%arg12 : memref<64x128xf32, #tpu.memory_space<vmem>>) offsets(%arg8 : memref<64xi32, #tpu.memory_space<vmem>>) semaphore(%arg19 : memref<!tpu.dma_semaphore, #tpu.memory_space<semaphore_mem>>)
      } else {
      }
      %dma_wait3A_101 = arith.constant 0 : i32
      %dma_wait3A_102 = arith.constant 0 : i32
      %dma_wait3A_103 = tpu.memref_slice %arg6[%dma_wait3A_101, %dma_wait3A_102] : memref<10240x128xf32, #tpu.memory_space<vmem_shared>> -> memref<10240x128xf32, #tpu.memory_space<vmem_shared>>
      tpu.wait_indirect_dma semaphore(%arg20 : memref<!tpu.dma_semaphore, #tpu.memory_space<semaphore_mem>>) src(%dma_wait3A_103 : memref<10240x128xf32, #tpu.memory_space<vmem_shared>>) dst(%arg13 : memref<64x128xf32, #tpu.memory_space<vmem>>)
      %dma_wait3A_104 = arith.constant 0 : i32
      %dma_wait3A_105 = arith.constant 0 : i32
      %dma_wait3A_106 = tpu.memref_slice %arg6[%dma_wait3A_104, %dma_wait3A_105] : memref<10240x128xf32, #tpu.memory_space<vmem_shared>> -> memref<10240x128xf32, #tpu.memory_space<vmem_shared>>
      tpu.wait_indirect_dma semaphore(%arg20 : memref<!tpu.dma_semaphore, #tpu.memory_space<semaphore_mem>>) src(%dma_wait3A_106 : memref<10240x128xf32, #tpu.memory_space<vmem_shared>>) dst(%arg14 : memref<64x128xf32, #tpu.memory_space<vmem>>)
      %lt3A_107 = arith.constant 79 : i32
      %lt3A_108 = arith.cmpi slt, %scan3A_34, %lt3A_107 : i32
      %convert_element_type3A_109 = arith.extui %lt3A_108 : i1 to i32
      %cond3A_110 = arith.constant 0 : i32
      %cond3A_111 = arith.cmpi ne, %convert_element_type3A_109, %cond3A_110 : i32
      scf.if %cond3A_111 {
        %add3A_159 = arith.constant 3 : i32
        %add3A_160 = arith.addi %mul3A_36, %add3A_159 : i32
        %mul3A_161 = arith.constant 64 : i32
        %mul3A_162 = arith.muli %add3A_160, %mul3A_161 : i32
        %add3A_163 = arith.addi %mul3A_2, %mul3A_162 : i32
        %dma_start3A_164 = tpu.memref_slice %arg2[%add3A_163] : memref<327680xi32, #tpu.memory_space<hbm>> -> memref<64xi32, #tpu.memory_space<hbm>>
        %dma_start3A_165 = tpu.memref_slice %arg2[%add3A_163] : memref<327680xi32, #tpu.memory_space<hbm>> -> memref<64xi32, #tpu.memory_space<hbm>>
        tpu.enqueue_dma source(%dma_start3A_165 : memref<64xi32, #tpu.memory_space<hbm>>) target(%arg9 : memref<64xi32, #tpu.memory_space<vmem>>) target_semaphore(%arg18 : memref<!tpu.dma_semaphore, #tpu.memory_space<semaphore_mem>>)
        %dma_start3A_166 = tpu.memref_slice %arg3[%add3A_163] : memref<327680xi32, #tpu.memory_space<hbm>> -> memref<64xi32, #tpu.memory_space<hbm>>
        %dma_start3A_167 = tpu.memref_slice %arg3[%add3A_163] : memref<327680xi32, #tpu.memory_space<hbm>> -> memref<64xi32, #tpu.memory_space<hbm>>
        tpu.enqueue_dma source(%dma_start3A_167 : memref<64xi32, #tpu.memory_space<hbm>>) target(%arg10 : memref<64xi32, #tpu.memory_space<vmem>>) target_semaphore(%arg18 : memref<!tpu.dma_semaphore, #tpu.memory_space<semaphore_mem>>)
      } else {
      }
      %add3A_112 = arith.constant 1 : i32
      %add3A_113 = arith.addi %mul3A_36, %add3A_112 : i32
      %iota3A_114 = tpu.iota {dimensions = array<i32: 0>} : vector<16xi32>
      %add3A_115 = arith.constant 0 : i32
      %add3A_116 = vector.broadcast %add3A_115 : i32 to vector<16xi32>
      %add3A_117 = arith.addi %iota3A_114, %add3A_116 : vector<16xi32>
      %add3A_118 = arith.constant 16 : i32
      %add3A_119 = vector.broadcast %add3A_118 : i32 to vector<16xi32>
      %add3A_120 = arith.addi %iota3A_114, %add3A_119 : vector<16xi32>
      %add3A_121 = arith.constant 32 : i32
      %add3A_122 = vector.broadcast %add3A_121 : i32 to vector<16xi32>
      %add3A_123 = arith.addi %iota3A_114, %add3A_122 : vector<16xi32>
      %add3A_124 = arith.constant 48 : i32
      %add3A_125 = vector.broadcast %add3A_124 : i32 to vector<16xi32>
      %add3A_126 = arith.addi %iota3A_114, %add3A_125 : vector<16xi32>
      %broadcast_in_dim3A_127 = arith.constant 0.000000e+00 : f32
      %broadcast_in_dim3A_128 = vector.broadcast %broadcast_in_dim3A_127 : f32 to vector<16xf32>
      %broadcast_in_dim3A_129 = arith.constant 0.000000e+00 : f32
      %broadcast_in_dim3A_130 = vector.broadcast %broadcast_in_dim3A_129 : f32 to vector<16xf32>
      %broadcast_in_dim3A_131 = arith.constant 0.000000e+00 : f32
      %broadcast_in_dim3A_132 = vector.broadcast %broadcast_in_dim3A_131 : f32 to vector<16xf32>
      %broadcast_in_dim3A_133 = arith.constant 0.000000e+00 : f32
      %broadcast_in_dim3A_134 = vector.broadcast %broadcast_in_dim3A_133 : f32 to vector<16xf32>
      %scan3A_135 = arith.constant 0 : i32
      %scan3A_136 = arith.constant 16 : i32
      %scan3A_137 = arith.addi %scan3A_135, %scan3A_136 : i32
      %scan3A_138 = arith.constant 1 : i32
      %scan3A_139:4 = scf.for %scan3A_159 = %scan3A_135 to %scan3A_137 step %scan3A_138 iter_args(%scan3A_160 = %broadcast_in_dim3A_128, %scan3A_161 = %broadcast_in_dim3A_130, %scan3A_162 = %broadcast_in_dim3A_132, %scan3A_163 = %broadcast_in_dim3A_134) -> (vector<16xf32>, vector<16xf32>, vector<16xf32>, vector<16xf32>)  : i32 {
        %mul3A_164 = arith.constant 8 : i32
        %mul3A_165 = arith.muli %scan3A_159, %mul3A_164 : i32
        %add3A_166 = arith.constant 0 : i32
        %add3A_167 = arith.addi %mul3A_165, %add3A_166 : i32
        %add3A_168 = vector.broadcast %add3A_167 : i32 to vector<16xi32>
        %add3A_169 = arith.addi %iota3A_114, %add3A_168 : vector<16xi32>
        %and3A = arith.constant 127 : i32
        %and3A_170 = vector.broadcast %and3A : i32 to vector<16xi32>
        %and3A_171 = arith.andi %add3A_169, %and3A_170 : vector<16xi32>
        %gather3A = tpu.vector_load_idx %arg13[%add3A_117, %and3A_171] : memref<64x128xf32, #tpu.memory_space<vmem>>[vector<16xi32>, vector<16xi32>], vector<16xf32>,
        %gather3A_172 = tpu.vector_load_idx %arg14[%add3A_117, %and3A_171] : memref<64x128xf32, #tpu.memory_space<vmem>>[vector<16xi32>, vector<16xi32>], vector<16xf32>,
        %mul3A_173 = arith.mulf %gather3A, %gather3A_172 : vector<16xf32>
        %add3A_174 = arith.addf %scan3A_160, %mul3A_173 : vector<16xf32>
        %gather3A_175 = tpu.vector_load_idx %arg13[%add3A_120, %and3A_171] : memref<64x128xf32, #tpu.memory_space<vmem>>[vector<16xi32>, vector<16xi32>], vector<16xf32>,
        %gather3A_176 = tpu.vector_load_idx %arg14[%add3A_120, %and3A_171] : memref<64x128xf32, #tpu.memory_space<vmem>>[vector<16xi32>, vector<16xi32>], vector<16xf32>,
        %mul3A_177 = arith.mulf %gather3A_175, %gather3A_176 : vector<16xf32>
        %add3A_178 = arith.addf %scan3A_161, %mul3A_177 : vector<16xf32>
        %gather3A_179 = tpu.vector_load_idx %arg13[%add3A_123, %and3A_171] : memref<64x128xf32, #tpu.memory_space<vmem>>[vector<16xi32>, vector<16xi32>], vector<16xf32>,
        %gather3A_180 = tpu.vector_load_idx %arg14[%add3A_123, %and3A_171] : memref<64x128xf32, #tpu.memory_space<vmem>>[vector<16xi32>, vector<16xi32>], vector<16xf32>,
        %mul3A_181 = arith.mulf %gather3A_179, %gather3A_180 : vector<16xf32>
        %add3A_182 = arith.addf %scan3A_162, %mul3A_181 : vector<16xf32>
        %gather3A_183 = tpu.vector_load_idx %arg13[%add3A_126, %and3A_171] : memref<64x128xf32, #tpu.memory_space<vmem>>[vector<16xi32>, vector<16xi32>], vector<16xf32>,
        %gather3A_184 = tpu.vector_load_idx %arg14[%add3A_126, %and3A_171] : memref<64x128xf32, #tpu.memory_space<vmem>>[vector<16xi32>, vector<16xi32>], vector<16xf32>,
        %mul3A_185 = arith.mulf %gather3A_183, %gather3A_184 : vector<16xf32>
        %add3A_186 = arith.addf %scan3A_163, %mul3A_185 : vector<16xf32>
        %add3A_187 = arith.constant 1 : i32
        %add3A_188 = arith.addi %mul3A_165, %add3A_187 : i32
        %add3A_189 = vector.broadcast %add3A_188 : i32 to vector<16xi32>
        %add3A_190 = arith.addi %iota3A_114, %add3A_189 : vector<16xi32>
        %and3A_191 = arith.constant 127 : i32
        %and3A_192 = vector.broadcast %and3A_191 : i32 to vector<16xi32>
        %and3A_193 = arith.andi %add3A_190, %and3A_192 : vector<16xi32>
        %gather3A_194 = tpu.vector_load_idx %arg13[%add3A_117, %and3A_193] : memref<64x128xf32, #tpu.memory_space<vmem>>[vector<16xi32>, vector<16xi32>], vector<16xf32>,
        %gather3A_195 = tpu.vector_load_idx %arg14[%add3A_117, %and3A_193] : memref<64x128xf32, #tpu.memory_space<vmem>>[vector<16xi32>, vector<16xi32>], vector<16xf32>,
        %mul3A_196 = arith.mulf %gather3A_194, %gather3A_195 : vector<16xf32>
        %add3A_197 = arith.addf %add3A_174, %mul3A_196 : vector<16xf32>
        %gather3A_198 = tpu.vector_load_idx %arg13[%add3A_120, %and3A_193] : memref<64x128xf32, #tpu.memory_space<vmem>>[vector<16xi32>, vector<16xi32>], vector<16xf32>,
        %gather3A_199 = tpu.vector_load_idx %arg14[%add3A_120, %and3A_193] : memref<64x128xf32, #tpu.memory_space<vmem>>[vector<16xi32>, vector<16xi32>], vector<16xf32>,
        %mul3A_200 = arith.mulf %gather3A_198, %gather3A_199 : vector<16xf32>
        %add3A_201 = arith.addf %add3A_178, %mul3A_200 : vector<16xf32>
        %gather3A_202 = tpu.vector_load_idx %arg13[%add3A_123, %and3A_193] : memref<64x128xf32, #tpu.memory_space<vmem>>[vector<16xi32>, vector<16xi32>], vector<16xf32>,
        %gather3A_203 = tpu.vector_load_idx %arg14[%add3A_123, %and3A_193] : memref<64x128xf32, #tpu.memory_space<vmem>>[vector<16xi32>, vector<16xi32>], vector<16xf32>,
        %mul3A_204 = arith.mulf %gather3A_202, %gather3A_203 : vector<16xf32>
        %add3A_205 = arith.addf %add3A_182, %mul3A_204 : vector<16xf32>
        %gather3A_206 = tpu.vector_load_idx %arg13[%add3A_126, %and3A_193] : memref<64x128xf32, #tpu.memory_space<vmem>>[vector<16xi32>, vector<16xi32>], vector<16xf32>,
        %gather3A_207 = tpu.vector_load_idx %arg14[%add3A_126, %and3A_193] : memref<64x128xf32, #tpu.memory_space<vmem>>[vector<16xi32>, vector<16xi32>], vector<16xf32>,
        %mul3A_208 = arith.mulf %gather3A_206, %gather3A_207 : vector<16xf32>
        %add3A_209 = arith.addf %add3A_186, %mul3A_208 : vector<16xf32>
        %add3A_210 = arith.constant 2 : i32
        %add3A_211 = arith.addi %mul3A_165, %add3A_210 : i32
        %add3A_212 = vector.broadcast %add3A_211 : i32 to vector<16xi32>
        %add3A_213 = arith.addi %iota3A_114, %add3A_212 : vector<16xi32>
        %and3A_214 = arith.constant 127 : i32
        %and3A_215 = vector.broadcast %and3A_214 : i32 to vector<16xi32>
        %and3A_216 = arith.andi %add3A_213, %and3A_215 : vector<16xi32>
        %gather3A_217 = tpu.vector_load_idx %arg13[%add3A_117, %and3A_216] : memref<64x128xf32, #tpu.memory_space<vmem>>[vector<16xi32>, vector<16xi32>], vector<16xf32>,
        %gather3A_218 = tpu.vector_load_idx %arg14[%add3A_117, %and3A_216] : memref<64x128xf32, #tpu.memory_space<vmem>>[vector<16xi32>, vector<16xi32>], vector<16xf32>,
        %mul3A_219 = arith.mulf %gather3A_217, %gather3A_218 : vector<16xf32>
        %add3A_220 = arith.addf %add3A_197, %mul3A_219 : vector<16xf32>
        %gather3A_221 = tpu.vector_load_idx %arg13[%add3A_120, %and3A_216] : memref<64x128xf32, #tpu.memory_space<vmem>>[vector<16xi32>, vector<16xi32>], vector<16xf32>,
        %gather3A_222 = tpu.vector_load_idx %arg14[%add3A_120, %and3A_216] : memref<64x128xf32, #tpu.memory_space<vmem>>[vector<16xi32>, vector<16xi32>], vector<16xf32>,
        %mul3A_223 = arith.mulf %gather3A_221, %gather3A_222 : vector<16xf32>
        %add3A_224 = arith.addf %add3A_201, %mul3A_223 : vector<16xf32>
        %gather3A_225 = tpu.vector_load_idx %arg13[%add3A_123, %and3A_216] : memref<64x128xf32, #tpu.memory_space<vmem>>[vector<16xi32>, vector<16xi32>], vector<16xf32>,
        %gather3A_226 = tpu.vector_load_idx %arg14[%add3A_123, %and3A_216] : memref<64x128xf32, #tpu.memory_space<vmem>>[vector<16xi32>, vector<16xi32>], vector<16xf32>,
        %mul3A_227 = arith.mulf %gather3A_225, %gather3A_226 : vector<16xf32>
        %add3A_228 = arith.addf %add3A_205, %mul3A_227 : vector<16xf32>
        %gather3A_229 = tpu.vector_load_idx %arg13[%add3A_126, %and3A_216] : memref<64x128xf32, #tpu.memory_space<vmem>>[vector<16xi32>, vector<16xi32>], vector<16xf32>,
        %gather3A_230 = tpu.vector_load_idx %arg14[%add3A_126, %and3A_216] : memref<64x128xf32, #tpu.memory_space<vmem>>[vector<16xi32>, vector<16xi32>], vector<16xf32>,
        %mul3A_231 = arith.mulf %gather3A_229, %gather3A_230 : vector<16xf32>
        %add3A_232 = arith.addf %add3A_209, %mul3A_231 : vector<16xf32>
        %add3A_233 = arith.constant 3 : i32
        %add3A_234 = arith.addi %mul3A_165, %add3A_233 : i32
        %add3A_235 = vector.broadcast %add3A_234 : i32 to vector<16xi32>
        %add3A_236 = arith.addi %iota3A_114, %add3A_235 : vector<16xi32>
        %and3A_237 = arith.constant 127 : i32
        %and3A_238 = vector.broadcast %and3A_237 : i32 to vector<16xi32>
        %and3A_239 = arith.andi %add3A_236, %and3A_238 : vector<16xi32>
        %gather3A_240 = tpu.vector_load_idx %arg13[%add3A_117, %and3A_239] : memref<64x128xf32, #tpu.memory_space<vmem>>[vector<16xi32>, vector<16xi32>], vector<16xf32>,
        %gather3A_241 = tpu.vector_load_idx %arg14[%add3A_117, %and3A_239] : memref<64x128xf32, #tpu.memory_space<vmem>>[vector<16xi32>, vector<16xi32>], vector<16xf32>,
        %mul3A_242 = arith.mulf %gather3A_240, %gather3A_241 : vector<16xf32>
        %add3A_243 = arith.addf %add3A_220, %mul3A_242 : vector<16xf32>
        %gather3A_244 = tpu.vector_load_idx %arg13[%add3A_120, %and3A_239] : memref<64x128xf32, #tpu.memory_space<vmem>>[vector<16xi32>, vector<16xi32>], vector<16xf32>,
        %gather3A_245 = tpu.vector_load_idx %arg14[%add3A_120, %and3A_239] : memref<64x128xf32, #tpu.memory_space<vmem>>[vector<16xi32>, vector<16xi32>], vector<16xf32>,
        %mul3A_246 = arith.mulf %gather3A_244, %gather3A_245 : vector<16xf32>
        %add3A_247 = arith.addf %add3A_224, %mul3A_246 : vector<16xf32>
        %gather3A_248 = tpu.vector_load_idx %arg13[%add3A_123, %and3A_239] : memref<64x128xf32, #tpu.memory_space<vmem>>[vector<16xi32>, vector<16xi32>], vector<16xf32>,
        %gather3A_249 = tpu.vector_load_idx %arg14[%add3A_123, %and3A_239] : memref<64x128xf32, #tpu.memory_space<vmem>>[vector<16xi32>, vector<16xi32>], vector<16xf32>,
        %mul3A_250 = arith.mulf %gather3A_248, %gather3A_249 : vector<16xf32>
        %add3A_251 = arith.addf %add3A_228, %mul3A_250 : vector<16xf32>
        %gather3A_252 = tpu.vector_load_idx %arg13[%add3A_126, %and3A_239] : memref<64x128xf32, #tpu.memory_space<vmem>>[vector<16xi32>, vector<16xi32>], vector<16xf32>,
        %gather3A_253 = tpu.vector_load_idx %arg14[%add3A_126, %and3A_239] : memref<64x128xf32, #tpu.memory_space<vmem>>[vector<16xi32>, vector<16xi32>], vector<16xf32>,
        %mul3A_254 = arith.mulf %gather3A_252, %gather3A_253 : vector<16xf32>
        %add3A_255 = arith.addf %add3A_232, %mul3A_254 : vector<16xf32>
        %add3A_256 = arith.constant 4 : i32
        %add3A_257 = arith.addi %mul3A_165, %add3A_256 : i32
        %add3A_258 = vector.broadcast %add3A_257 : i32 to vector<16xi32>
        %add3A_259 = arith.addi %iota3A_114, %add3A_258 : vector<16xi32>
        %and3A_260 = arith.constant 127 : i32
        %and3A_261 = vector.broadcast %and3A_260 : i32 to vector<16xi32>
        %and3A_262 = arith.andi %add3A_259, %and3A_261 : vector<16xi32>
        %gather3A_263 = tpu.vector_load_idx %arg13[%add3A_117, %and3A_262] : memref<64x128xf32, #tpu.memory_space<vmem>>[vector<16xi32>, vector<16xi32>], vector<16xf32>,
        %gather3A_264 = tpu.vector_load_idx %arg14[%add3A_117, %and3A_262] : memref<64x128xf32, #tpu.memory_space<vmem>>[vector<16xi32>, vector<16xi32>], vector<16xf32>,
        %mul3A_265 = arith.mulf %gather3A_263, %gather3A_264 : vector<16xf32>
        %add3A_266 = arith.addf %add3A_243, %mul3A_265 : vector<16xf32>
        %gather3A_267 = tpu.vector_load_idx %arg13[%add3A_120, %and3A_262] : memref<64x128xf32, #tpu.memory_space<vmem>>[vector<16xi32>, vector<16xi32>], vector<16xf32>,
        %gather3A_268 = tpu.vector_load_idx %arg14[%add3A_120, %and3A_262] : memref<64x128xf32, #tpu.memory_space<vmem>>[vector<16xi32>, vector<16xi32>], vector<16xf32>,
        %mul3A_269 = arith.mulf %gather3A_267, %gather3A_268 : vector<16xf32>
        %add3A_270 = arith.addf %add3A_247, %mul3A_269 : vector<16xf32>
        %gather3A_271 = tpu.vector_load_idx %arg13[%add3A_123, %and3A_262] : memref<64x128xf32, #tpu.memory_space<vmem>>[vector<16xi32>, vector<16xi32>], vector<16xf32>,
        %gather3A_272 = tpu.vector_load_idx %arg14[%add3A_123, %and3A_262] : memref<64x128xf32, #tpu.memory_space<vmem>>[vector<16xi32>, vector<16xi32>], vector<16xf32>,
        %mul3A_273 = arith.mulf %gather3A_271, %gather3A_272 : vector<16xf32>
        %add3A_274 = arith.addf %add3A_251, %mul3A_273 : vector<16xf32>
        %gather3A_275 = tpu.vector_load_idx %arg13[%add3A_126, %and3A_262] : memref<64x128xf32, #tpu.memory_space<vmem>>[vector<16xi32>, vector<16xi32>], vector<16xf32>,
        %gather3A_276 = tpu.vector_load_idx %arg14[%add3A_126, %and3A_262] : memref<64x128xf32, #tpu.memory_space<vmem>>[vector<16xi32>, vector<16xi32>], vector<16xf32>,
        %mul3A_277 = arith.mulf %gather3A_275, %gather3A_276 : vector<16xf32>
        %add3A_278 = arith.addf %add3A_255, %mul3A_277 : vector<16xf32>
        %add3A_279 = arith.constant 5 : i32
        %add3A_280 = arith.addi %mul3A_165, %add3A_279 : i32
        %add3A_281 = vector.broadcast %add3A_280 : i32 to vector<16xi32>
        %add3A_282 = arith.addi %iota3A_114, %add3A_281 : vector<16xi32>
        %and3A_283 = arith.constant 127 : i32
        %and3A_284 = vector.broadcast %and3A_283 : i32 to vector<16xi32>
        %and3A_285 = arith.andi %add3A_282, %and3A_284 : vector<16xi32>
        %gather3A_286 = tpu.vector_load_idx %arg13[%add3A_117, %and3A_285] : memref<64x128xf32, #tpu.memory_space<vmem>>[vector<16xi32>, vector<16xi32>], vector<16xf32>,
        %gather3A_287 = tpu.vector_load_idx %arg14[%add3A_117, %and3A_285] : memref<64x128xf32, #tpu.memory_space<vmem>>[vector<16xi32>, vector<16xi32>], vector<16xf32>,
        %mul3A_288 = arith.mulf %gather3A_286, %gather3A_287 : vector<16xf32>
        %add3A_289 = arith.addf %add3A_266, %mul3A_288 : vector<16xf32>
        %gather3A_290 = tpu.vector_load_idx %arg13[%add3A_120, %and3A_285] : memref<64x128xf32, #tpu.memory_space<vmem>>[vector<16xi32>, vector<16xi32>], vector<16xf32>,
        %gather3A_291 = tpu.vector_load_idx %arg14[%add3A_120, %and3A_285] : memref<64x128xf32, #tpu.memory_space<vmem>>[vector<16xi32>, vector<16xi32>], vector<16xf32>,
        %mul3A_292 = arith.mulf %gather3A_290, %gather3A_291 : vector<16xf32>
        %add3A_293 = arith.addf %add3A_270, %mul3A_292 : vector<16xf32>
        %gather3A_294 = tpu.vector_load_idx %arg13[%add3A_123, %and3A_285] : memref<64x128xf32, #tpu.memory_space<vmem>>[vector<16xi32>, vector<16xi32>], vector<16xf32>,
        %gather3A_295 = tpu.vector_load_idx %arg14[%add3A_123, %and3A_285] : memref<64x128xf32, #tpu.memory_space<vmem>>[vector<16xi32>, vector<16xi32>], vector<16xf32>,
        %mul3A_296 = arith.mulf %gather3A_294, %gather3A_295 : vector<16xf32>
        %add3A_297 = arith.addf %add3A_274, %mul3A_296 : vector<16xf32>
        %gather3A_298 = tpu.vector_load_idx %arg13[%add3A_126, %and3A_285] : memref<64x128xf32, #tpu.memory_space<vmem>>[vector<16xi32>, vector<16xi32>], vector<16xf32>,
        %gather3A_299 = tpu.vector_load_idx %arg14[%add3A_126, %and3A_285] : memref<64x128xf32, #tpu.memory_space<vmem>>[vector<16xi32>, vector<16xi32>], vector<16xf32>,
        %mul3A_300 = arith.mulf %gather3A_298, %gather3A_299 : vector<16xf32>
        %add3A_301 = arith.addf %add3A_278, %mul3A_300 : vector<16xf32>
        %add3A_302 = arith.constant 6 : i32
        %add3A_303 = arith.addi %mul3A_165, %add3A_302 : i32
        %add3A_304 = vector.broadcast %add3A_303 : i32 to vector<16xi32>
        %add3A_305 = arith.addi %iota3A_114, %add3A_304 : vector<16xi32>
        %and3A_306 = arith.constant 127 : i32
        %and3A_307 = vector.broadcast %and3A_306 : i32 to vector<16xi32>
        %and3A_308 = arith.andi %add3A_305, %and3A_307 : vector<16xi32>
        %gather3A_309 = tpu.vector_load_idx %arg13[%add3A_117, %and3A_308] : memref<64x128xf32, #tpu.memory_space<vmem>>[vector<16xi32>, vector<16xi32>], vector<16xf32>,
        %gather3A_310 = tpu.vector_load_idx %arg14[%add3A_117, %and3A_308] : memref<64x128xf32, #tpu.memory_space<vmem>>[vector<16xi32>, vector<16xi32>], vector<16xf32>,
        %mul3A_311 = arith.mulf %gather3A_309, %gather3A_310 : vector<16xf32>
        %add3A_312 = arith.addf %add3A_289, %mul3A_311 : vector<16xf32>
        %gather3A_313 = tpu.vector_load_idx %arg13[%add3A_120, %and3A_308] : memref<64x128xf32, #tpu.memory_space<vmem>>[vector<16xi32>, vector<16xi32>], vector<16xf32>,
        %gather3A_314 = tpu.vector_load_idx %arg14[%add3A_120, %and3A_308] : memref<64x128xf32, #tpu.memory_space<vmem>>[vector<16xi32>, vector<16xi32>], vector<16xf32>,
        %mul3A_315 = arith.mulf %gather3A_313, %gather3A_314 : vector<16xf32>
        %add3A_316 = arith.addf %add3A_293, %mul3A_315 : vector<16xf32>
        %gather3A_317 = tpu.vector_load_idx %arg13[%add3A_123, %and3A_308] : memref<64x128xf32, #tpu.memory_space<vmem>>[vector<16xi32>, vector<16xi32>], vector<16xf32>,
        %gather3A_318 = tpu.vector_load_idx %arg14[%add3A_123, %and3A_308] : memref<64x128xf32, #tpu.memory_space<vmem>>[vector<16xi32>, vector<16xi32>], vector<16xf32>,
        %mul3A_319 = arith.mulf %gather3A_317, %gather3A_318 : vector<16xf32>
        %add3A_320 = arith.addf %add3A_297, %mul3A_319 : vector<16xf32>
        %gather3A_321 = tpu.vector_load_idx %arg13[%add3A_126, %and3A_308] : memref<64x128xf32, #tpu.memory_space<vmem>>[vector<16xi32>, vector<16xi32>], vector<16xf32>,
        %gather3A_322 = tpu.vector_load_idx %arg14[%add3A_126, %and3A_308] : memref<64x128xf32, #tpu.memory_space<vmem>>[vector<16xi32>, vector<16xi32>], vector<16xf32>,
        %mul3A_323 = arith.mulf %gather3A_321, %gather3A_322 : vector<16xf32>
        %add3A_324 = arith.addf %add3A_301, %mul3A_323 : vector<16xf32>
        %add3A_325 = arith.constant 7 : i32
        %add3A_326 = arith.addi %mul3A_165, %add3A_325 : i32
        %add3A_327 = vector.broadcast %add3A_326 : i32 to vector<16xi32>
        %add3A_328 = arith.addi %iota3A_114, %add3A_327 : vector<16xi32>
        %and3A_329 = arith.constant 127 : i32
        %and3A_330 = vector.broadcast %and3A_329 : i32 to vector<16xi32>
        %and3A_331 = arith.andi %add3A_328, %and3A_330 : vector<16xi32>
        %gather3A_332 = tpu.vector_load_idx %arg13[%add3A_117, %and3A_331] : memref<64x128xf32, #tpu.memory_space<vmem>>[vector<16xi32>, vector<16xi32>], vector<16xf32>,
        %gather3A_333 = tpu.vector_load_idx %arg14[%add3A_117, %and3A_331] : memref<64x128xf32, #tpu.memory_space<vmem>>[vector<16xi32>, vector<16xi32>], vector<16xf32>,
        %mul3A_334 = arith.mulf %gather3A_332, %gather3A_333 : vector<16xf32>
        %add3A_335 = arith.addf %add3A_312, %mul3A_334 : vector<16xf32>
        %gather3A_336 = tpu.vector_load_idx %arg13[%add3A_120, %and3A_331] : memref<64x128xf32, #tpu.memory_space<vmem>>[vector<16xi32>, vector<16xi32>], vector<16xf32>,
        %gather3A_337 = tpu.vector_load_idx %arg14[%add3A_120, %and3A_331] : memref<64x128xf32, #tpu.memory_space<vmem>>[vector<16xi32>, vector<16xi32>], vector<16xf32>,
        %mul3A_338 = arith.mulf %gather3A_336, %gather3A_337 : vector<16xf32>
        %add3A_339 = arith.addf %add3A_316, %mul3A_338 : vector<16xf32>
        %gather3A_340 = tpu.vector_load_idx %arg13[%add3A_123, %and3A_331] : memref<64x128xf32, #tpu.memory_space<vmem>>[vector<16xi32>, vector<16xi32>], vector<16xf32>,
        %gather3A_341 = tpu.vector_load_idx %arg14[%add3A_123, %and3A_331] : memref<64x128xf32, #tpu.memory_space<vmem>>[vector<16xi32>, vector<16xi32>], vector<16xf32>,
        %mul3A_342 = arith.mulf %gather3A_340, %gather3A_341 : vector<16xf32>
        %add3A_343 = arith.addf %add3A_320, %mul3A_342 : vector<16xf32>
        %gather3A_344 = tpu.vector_load_idx %arg13[%add3A_126, %and3A_331] : memref<64x128xf32, #tpu.memory_space<vmem>>[vector<16xi32>, vector<16xi32>], vector<16xf32>,
        %gather3A_345 = tpu.vector_load_idx %arg14[%add3A_126, %and3A_331] : memref<64x128xf32, #tpu.memory_space<vmem>>[vector<16xi32>, vector<16xi32>], vector<16xf32>,
        %mul3A_346 = arith.mulf %gather3A_344, %gather3A_345 : vector<16xf32>
        %add3A_347 = arith.addf %add3A_324, %mul3A_346 : vector<16xf32>
        scf.yield %add3A_335, %add3A_339, %add3A_343, %add3A_347 : vector<16xf32>, vector<16xf32>, vector<16xf32>, vector<16xf32>
      }
      %scan3A_140 = arith.constant 16 : i32
      %ge3A_141 = arith.constant 2 : i32
      %ge3A_142 = arith.cmpi sge, %add3A_113, %ge3A_141 : i32
      %convert_element_type3A_143 = arith.extui %ge3A_142 : i1 to i32
      %cond3A_144 = arith.constant 0 : i32
      %cond3A_145 = arith.cmpi ne, %convert_element_type3A_143, %cond3A_144 : i32
      scf.if %cond3A_145 {
        %dma_wait3A_159 = tpu.memref_slice %arg5[%mul3A_2] : memref<327680xf32, #tpu.memory_space<hbm>> -> memref<64xf32, #tpu.memory_space<hbm>>
        %dma_wait3A_160 = tpu.memref_slice %arg5[%mul3A_2] : memref<327680xf32, #tpu.memory_space<hbm>> -> memref<64xf32, #tpu.memory_space<hbm>>
        tpu.wait_dma2 semaphore(%arg22 : memref<!tpu.dma_semaphore, #tpu.memory_space<semaphore_mem>>) src(%arg16 : memref<64xf32, #tpu.memory_space<vmem>>) dst(%dma_wait3A_160 : memref<64xf32, #tpu.memory_space<hbm>>)
      } else {
      }
      %swap3A_146 = arith.constant 0 : index
      %swap3A_147 = tpu.vector_load %arg16[%swap3A_146] {strides = array<i32>} : memref<64xf32, #tpu.memory_space<vmem>>, vector<16xf32>,
      tpu.vector_store %arg16[%swap3A_146], %scan3A_139#0 {strides = array<i32>} : memref<64xf32, #tpu.memory_space<vmem>>, vector<16xf32>,
      %swap3A_148 = arith.constant 16 : index
      %swap3A_149 = tpu.vector_load %arg16[%swap3A_148] {strides = array<i32>} : memref<64xf32, #tpu.memory_space<vmem>>, vector<16xf32>,
      tpu.vector_store %arg16[%swap3A_148], %scan3A_139#1 {strides = array<i32>} : memref<64xf32, #tpu.memory_space<vmem>>, vector<16xf32>,
      %swap3A_150 = arith.constant 32 : index
      %swap3A_151 = tpu.vector_load %arg16[%swap3A_150] {strides = array<i32>} : memref<64xf32, #tpu.memory_space<vmem>>, vector<16xf32>,
      tpu.vector_store %arg16[%swap3A_150], %scan3A_139#2 {strides = array<i32>} : memref<64xf32, #tpu.memory_space<vmem>>, vector<16xf32>,
      %swap3A_152 = arith.constant 48 : index
      %swap3A_153 = tpu.vector_load %arg16[%swap3A_152] {strides = array<i32>} : memref<64xf32, #tpu.memory_space<vmem>>, vector<16xf32>,
      tpu.vector_store %arg16[%swap3A_152], %scan3A_139#3 {strides = array<i32>} : memref<64xf32, #tpu.memory_space<vmem>>, vector<16xf32>,
      %mul3A_154 = arith.constant 64 : i32
      %mul3A_155 = arith.muli %add3A_113, %mul3A_154 : i32
      %add3A_156 = arith.addi %mul3A_2, %mul3A_155 : i32
      %dma_start3A_157 = tpu.memref_slice %arg5[%add3A_156] : memref<327680xf32, #tpu.memory_space<hbm>> -> memref<64xf32, #tpu.memory_space<hbm>>
      %dma_start3A_158 = tpu.memref_slice %arg5[%add3A_156] : memref<327680xf32, #tpu.memory_space<hbm>> -> memref<64xf32, #tpu.memory_space<hbm>>
      tpu.enqueue_dma source(%arg16 : memref<64xf32, #tpu.memory_space<vmem>>) target(%dma_start3A_158 : memref<64xf32, #tpu.memory_space<hbm>>) target_semaphore(%arg22 : memref<!tpu.dma_semaphore, #tpu.memory_space<semaphore_mem>>)
    }
    %scan3A_29 = arith.constant 80 : i32
    %dma_wait3A_30 = tpu.memref_slice %arg5[%mul3A_2] : memref<327680xf32, #tpu.memory_space<hbm>> -> memref<64xf32, #tpu.memory_space<hbm>>
    %dma_wait3A_31 = tpu.memref_slice %arg5[%mul3A_2] : memref<327680xf32, #tpu.memory_space<hbm>> -> memref<64xf32, #tpu.memory_space<hbm>>
    tpu.wait_dma2 semaphore(%arg21 : memref<!tpu.dma_semaphore, #tpu.memory_space<semaphore_mem>>) src(%arg15 : memref<64xf32, #tpu.memory_space<vmem>>) dst(%dma_wait3A_31 : memref<64xf32, #tpu.memory_space<hbm>>)
    %dma_wait3A_32 = tpu.memref_slice %arg5[%mul3A_2] : memref<327680xf32, #tpu.memory_space<hbm>> -> memref<64xf32, #tpu.memory_space<hbm>>
    %dma_wait3A_33 = tpu.memref_slice %arg5[%mul3A_2] : memref<327680xf32, #tpu.memory_space<hbm>> -> memref<64xf32, #tpu.memory_space<hbm>>
    tpu.wait_dma2 semaphore(%arg22 : memref<!tpu.dma_semaphore, #tpu.memory_space<semaphore_mem>>) src(%arg16 : memref<64xf32, #tpu.memory_space<vmem>>) dst(%dma_wait3A_33 : memref<64xf32, #tpu.memory_space<hbm>>)
    return
  }
}

</mosaic_0001>

<sc_bundles>
// kernel: kernel.3.cloned.1.call-start
scs
__scs_entry_jumppad:
0x0: {  	(pc) =	sbr.rel $0x88, $3  }
0x1: {  	(tag) =	ssettag $0x0;
	lr =	simm.s32 $0x1  }
0x2: {  	[smem:$0x3F9F] =	sst lr;
	_ =	strace $0xD0000000  }
0x3: {  	_ = 	snop  }
0x4: {  	_ = 	snop  }
0x5: {  	_ = 	snop  }
0x6: {  	_ = 	snop  }
0x7: {  	_ = 	snop  }
__scs_overlays_trampoline_lowered:
0x8: {  	[smem:$0x3FAE] =	sst s0  }
0x9: {  	[smem:$0x3FAF] =	sst s1  }
0xa: {  	[smem:$0x3FB0] =	sst s2  }
0xb: {  	[smem:$0x3FB1] =	sst s3  }
0xc: {  	[smem:$0x3FB2] =	sst s4  }
0xd: {  	[smem:$0x3FB3] =	sst s5  }
0xe: {  	[smem:$0x3FB4] =	sst s6  }
0xf: {  	[smem:$0x3FB5] =	sst s7  }
0x10: {  	[smem:$0x3FB6] =	sst s8  }
0x11: {  	[smem:$0x3FB7] =	sst s9;
	s0 =	simm.s32 @!p0 $0x0  }
0x12: {  	s1 =	sld [smem:$0x3F9D];
	s0 =	simm.s32 @p0 $0x1  }
0x13: {  	[smem:$0x3FB8] =	sst s0;
	s0 =	simm.s32 @!p1 $0x0  }
0x14: {  	s2 =	sld [smem:$0x3F9C];
	s0 =	simm.s32 @p1 $0x1  }
0x15: {  	[smem:$0x3FB9] =	sst s0;
	s0 =	simm.s32 @!p2 $0x0  }
0x16: {  	s3 =	sld [smem:$0x3FDB];
	s0 =	simm.s32 @p2 $0x1  }
0x17: {  	s4 =	simm.s32 $0x1BF5;
	[smem:$0x3FBB] =	sst s0  }
0x18: {  	s0 =	sld [smem:$0x3F9E];
	_ =	swait.ge [sflag:s4], $0x0  }
0x19: {  	s7 =	sld [smem:$0x3F9F]  }
0x1a: {  	s8 =	sadd.s32 $0xFFFFE003, lr  }
0x1b: {  	s9 =	sadd.s32 $0xFFFFFEF7, lr;
	s5 =	simm.s32 $0xFFFFFFFF;
	p2 =	slt.u32 s8, $0xFFFFF086  }
0x1c: {  	p1 =	slt.u32 s9, $0xF7A;
	s5 =	simm.s32 @!p2 $0x0  }
0x1d: {  	s5 =	simm.s32 @p1 $0x1;
	p0 =	seq.s32 s7, s2  }
0x1e: {  	s7 =	smul.u32 @!p0 $0xF7A, s2;
	p2 =	seq.s32 @!p0 s5, $0x0  }
0x1f: {  	s9 =	smul.u32 $0xF7A, s1;
	s8 =	simm.s32 @!p0 $0x1BF5;
	p2 =	por !p2, p0  }
0x20: {  	[sflag:s8] =	ssyncset.s32 @!p0 $0xFFFFF086;
	s6 =	sadd.s32 @!p0 s3, s7;
	s7 =	simm.s32 @!p0 $0x108  }
0x21: {  	s3 =	sadd.s32 s3, s9;
	s6 =	sadd.s32 @!p0 $0x88, s6;
	s7 =	simm.s32 @p2 $0x1082  }
0x22: {  	[simem:s7], [sflag:s8] =	dma.local @!p0 [hbm:s6], $0xF7A  }
0x23: {  	s9 =	sor.u32 $0xD0000000, s2;
	s6 =	simm.s32 $0x108;
	_ =	swait.ge @!p0 [sflag:s8], $0x0  }
0x24: {  	s3 =	sadd.s32 $0x88, s3;
	s6 =	simm.s32 @!p1 $0x1082;
	[sflag:s4] =	ssyncset.s32 $0xFFFFF086  }
0x25: {  	[simem:s6], [sflag:s4] =	dma.local [hbm:s3], $0xF7A  }
0x26: {  	[smem:$0x3F9F] =	sst s1;
	(tag) =	ssettag s2;
	_ =	strace s9  }
0x27: {  	s1 =	sld [smem:$0x3FAF]  }
0x28: {  	s2 =	sld [smem:$0x3FB0]  }
0x29: {  	s4 =	sld [smem:$0x3FB2]  }
0x2a: {  	p0 =	seq.s32 s5, $0x0;
	s5 =	sld [smem:$0x3FB3]  }
0x2b: {  	s6 =	sld [smem:$0x3FB4]  }
0x2c: {  	s7 =	sld [smem:$0x3FB5]  }
0x2d: {  	s3 =	simm.s32 $0x108;
	s8 =	sld [smem:$0x3FB6]  }
0x2e: {  	s3 =	simm.s32 @!p0 $0x1082;
	s9 =	sld [smem:$0x3FB7]  }
0x2f: {  	lr =	sadd.s32 s0, s3;
	s0 =	sld [smem:$0x3FAE]  }
0x30: {  	s3 =	sld [smem:$0x3FB1]  }
0x31: {  	[smem:$0x3FBA] =	sst s10  }
0x32: {  	s10 =	sld [smem:$0x3FB8];
	_ =	sdelay $0x3  }
0x33: {  	p0 =	seq.s32 s10, $0x1;
	s10 =	sld [smem:$0x3FBA];
	_ =	sdelay $0x3  }
0x34: {  	[smem:$0x3FBA] =	sst s10  }
0x35: {  	s10 =	sld [smem:$0x3FB9];
	_ =	sdelay $0x3  }
0x36: {  	p1 =	seq.s32 s10, $0x1;
	s10 =	sld [smem:$0x3FBA];
	_ =	sdelay $0x3  }
0x37: {  	[smem:$0x3FBA] =	sst s10  }
0x38: {  	s10 =	sld [smem:$0x3FBB]  }
0x39: {  	_ = 	snop;
	(pc) =	sbr.ind lr, $3  }
0x3a: {  	_ = 	snop  }
0x3b: {  	_ = 	snop  }
0x3c: {  	p2 =	seq.s32 s10, $0x1;
	s10 =	sld [smem:$0x3FBA]  }
0x3d: {  	_ =	shalt  }
0x3e: {  	_ =	shalt  }
0x3f: {  	_ =	shalt  }
0x40: {  	_ =	shalt  }
0x41: {  	_ =	shalt  }
0x42: {  	_ =	shalt  }
0x43: {  	_ =	shalt  }
0x44: {  	_ =	shalt  }
0x45: {  	_ =	shalt  }
0x46: {  	_ =	shalt  }
0x47: {  	_ =	shalt  }
0x48: {  	_ =	shalt  }
0x49: {  	_ =	shalt  }
0x4a: {  	_ =	shalt  }
0x4b: {  	_ =	shalt  }
0x4c: {  	_ =	shalt  }
0x4d: {  	_ =	shalt  }
0x4e: {  	_ =	shalt  }
0x4f: {  	_ =	shalt  }
0x50: {  	_ =	shalt  }
0x51: {  	_ =	shalt  }
0x52: {  	_ =	shalt  }
0x53: {  	_ =	shalt  }
0x54: {  	_ =	shalt  }
0x55: {  	_ =	shalt  }
0x56: {  	_ =	shalt  }
0x57: {  	_ =	shalt  }
0x58: {  	_ =	shalt  }
0x59: {  	_ =	shalt  }
0x5a: {  	_ =	shalt  }
0x5b: {  	_ =	shalt  }
0x5c: {  	_ =	shalt  }
0x5d: {  	_ =	shalt  }
0x5e: {  	_ =	shalt  }
0x5f: {  	_ =	shalt  }
0x60: {  	_ =	shalt  }
0x61: {  	_ =	shalt  }
0x62: {  	_ =	shalt  }
0x63: {  	_ =	shalt  }
0x64: {  	_ =	shalt  }
0x65: {  	_ =	shalt  }
0x66: {  	_ =	shalt  }
0x67: {  	_ =	shalt  }
0x68: {  	_ =	shalt  }
0x69: {  	_ =	shalt  }
0x6a: {  	_ =	shalt  }
0x6b: {  	_ =	shalt  }
0x6c: {  	_ =	shalt  }
0x6d: {  	_ =	shalt  }
0x6e: {  	_ =	shalt  }
0x6f: {  	_ =	shalt  }
0x70: {  	_ =	shalt  }
0x71: {  	_ =	shalt  }
0x72: {  	_ =	shalt  }
0x73: {  	_ =	shalt  }
0x74: {  	_ =	shalt  }
0x75: {  	_ =	shalt  }
0x76: {  	_ =	shalt  }
0x77: {  	_ =	shalt  }
0x78: {  	_ =	shalt  }
0x79: {  	_ =	shalt  }
0x7a: {  	_ =	shalt  }
0x7b: {  	_ =	shalt  }
0x7c: {  	_ =	shalt  }
0x7d: {  	_ =	shalt  }
0x7e: {  	_ =	shalt  }
0x7f: {  	_ =	shalt  }
0x80: {  	_ =	shalt  }
0x81: {  	_ =	shalt  }
0x82: {  	_ =	shalt  }
0x83: {  	_ =	shalt  }
0x84: {  	_ =	shalt  }
0x85: {  	_ =	shalt  }
0x86: {  	_ =	shalt  }
0x87: {  	_ =	shalt  }
.Lfunc_end0:
.L_simem_size_0:
called_computation_lowered:
.L_overlay_start_0:
0x88: {  	s2 =	sld [smem:$0x3FD9]  }
0x89: {  	s3 =	sld [smem:$0x3FFE];
	_ =	sdelay $0x1  }
0x8a: {  	s1 =	srdreg.scid  }
0x8b: {  	s0 =	sand.u32 $0x1, s1  }
0x8c: {  	s16 =	sshll.u32 s0, $0xA;
	s2 =	sadd.s32 s3, s2  }
0x8d: {  	s2 =	sadd.s32 s2, s16  }
0x8e: {  	[smem:$0x3FC6] =	sst s2  }
0x8f: {  	_ = 	snop  }
0x90: {  	(tm) =	ssettm $0x1  }
0x91: {  	s17 =	sld [smem:$0x3FFB];
	_ =	sdelay $0x3  }
0x92: {  	_ =	strace s17  }
0x93: {  	s2 =	sld [smem:$0x3FFC];
	_ =	sdelay $0x3  }
0x94: {  	_ =	strace s2  }
0x95: {  	s2 =	sld [smem:$0x3FFD];
	_ =	sdelay $0x3  }
0x96: {  	_ =	strace s2  }
0x97: {  	_ =	strace $0x8FFFFFFF  }
0x98: {  	s18 =	sld [smem:$0x3FDB];
	_ =	sdelay $0x1  }
0x99: {  	s19 =	simm.s32 $_scs_section_size  }
0x9a: {  	s4 =	simm.s32 $_size__tile_overlayer_lowered;
	s5 =	simm.s32 $_tile_overlayer_lowered  }
0x9b: {  	s22 =	simm.s32 $0x1BFF;
	s21 =	sshll.u32 s5, $0x1;
	s2 =	sadd.s32 s19, s18  }
0x9c: {  	s6 =	simm.s32 $0x0;
	s20 =	sshll.u32 s4, $0x1;
	s4 =	sadd.s32 s21, s2  }
0x9d: {  	[timem:s6], [sflag:s22] =	dma.local [hbm:s4], s20  }
0x9e: {  	_ =	swait.ge [sflag:s22], s20  }
0x9f: {  	s3 =	ssub.s32 $0x0, s20;
	[sflag:s22] =	ssyncset.done $0x0  }
0xa0: {  	[sflag:s22] =	ssyncadd.s32 s3;
	_ =	sdelay $0x1  }
0xa1: {  	s23 =	simm.s32 $0x1B8B  }
0xa2: {  	_ =	swait.ge [sflag:s23], $0x1  }
0xa3: {  	[sflag:s23] =	ssyncset.done $0x0  }
0xa4: {  	s25 =	simm.s32 $0x1B8E;
	s24 =	sld [smem:$0x3FFE];
	[sflag:s23] =	ssyncadd.s32 $0xFFFFFFFF  }
0xa5: {  	s26 =	simm.s32 $execute0_lowered;
	[smem:$0x3FD2] =	sst s25  }
0xa6: {  	s4 =	sshll.u32 s26, $0x1;
	_ =	strace $0x80000046;
	[dreg:$0x1] =	wrdreg $0xFFFFFFFF  }
0xa7: {  	s28 =	simm.s32 $_size_execute0_lowered;
	s2 =	sadd.s32 s2, s4;
	[dreg:$0x0] =	wrdreg $0x0  }
0xa8: {  	s4 =	sshll.u32 s28, $0x1;
	[dreg:$0x2] =	wrdreg s2  }
0xa9: {  	[dreg:$0x3] =	wrdreg s4  }
0xaa: {  	[dreg:$0x4] =	wrdreg $0xC0  }
0xab: {  	_ =	task [dreg:s6], $0x5FFFF  }
0xac: {  	[dreg:$0x1] =	wrdreg $0xFFFFFFFF  }
0xad: {  	[dreg:$0x0] =	wrdreg $0x60  }
0xae: {  	[dreg:$0x2] =	wrdreg s24  }
0xaf: {  	[dreg:$0x3] =	wrdreg $0x0  }
0xb0: {  	[dreg:$0x4] =	wrdreg $0x9  }
0xb1: {  	_ =	task.clear_ibuf [dreg:s6], $0x5FFFF;
	_ =	strace $0x90000046  }
0xb2: {  	s29 =	simm.s32 $0x9;
	_ =	strace $0x80000048  }
0xb3: {  	_ =	swait.ge [sflag:s29], $0x1  }
0xb4: {  	[sflag:s29] =	ssyncadd.s32 $0xFFFFFFFF  }
0xb5: {  	_ =	strace $0x90000048  }
0xb6: {  	_ =	sfence  }
0xb7: {  	s30 =	sld [smem:$0x0];
	_ =	sdelay $0x2  }
0xb8: {  	s31 =	sshll.u32 s1, $0xD;
	s1 =	sshrl.u32 s1, $0x2  }
0xb9: {  	s3 =	sand.u32 $0x4000, s31;
	s1 =	sadd.s32 s1, s30  }
0xba: {  	s0 =	sor.u32 s3, s0;
	s1 =	sshll.u32 s1, $0x11  }
0xbb: {  	s0 =	sor.u32 s1, s0  }
0xbc: {  	s0 =	sadd.s32 $0x8F2B, s0  }
0xbd: {  	[sflag:s0] =	ssyncadd.remote.s32 $0x1  }
0xbe: {  	_ =	sfence.sel $0xFFFF  }
0xbf: {  	[dreg:$0x0] =	wrdreg $0xFFFFFFFF;
	(pc) =	sbr.abs _section_cstart, $3  }
0xc0: {  	[dreg:$0x1] =	wrdreg $0xFFFFFFFF  }
0xc1: {  	_ =	task.clear_ibuf [dreg:s6], $0x2FFFF;
	_ =	strace $0x9FFFFFFF  }
0xc2: {  	(tm) =	ssettm $0x7FFFFFFF  }
0xc3: {  	_ =	shalt  }
tec
execute0_lowered:
.L_overlay_start_1:
0x0: {  	(tag) =	ssettag $0x1  }
0x1: {  	s1 =	rddreg [dreg:$0x0]  }
0x2: {  	s2 =	rddreg [dreg:$0x1]  }
0x3: {  	s4 =	simm.s32 $0x0;
	s11 =	stileid.u32;
	s0 =	srdreg.scid  }
0x4: {  	s28 =	simm.s32 $0x14180;
	s29 =	simm.s32 $0x2;
	s30 =	simm.s32 $0x18200  }
0x5: {  	s31 =	simm.s32 $0x1A200;
	[smem:$0x7FF] =	sst s4;
	s5 =	sadd.s32 $0xA000, s1  }
0x6: {  	s3 =	smul.u32 $0x2800, s11;
	s0 =	sand.u32 $0x1, s0;
	s6 =	sshll.u32 s11, $0x1  }
0x7: {  	s9 =	smul.u32 $0x50000, s11;
	s7 =	sadd.s32 $0x3C000, s1;
	s19 =	sshll.u32 s11, $0x6  }
0x8: {  	_ =	strace $0x80000047;
	s8 =	ssub.s32 $0x2, s0;
	s0 =	sor.u32 s0, s6  }
0x9: {  	s21 =	sor.u32 $0x1C07, s19;
	s19 =	simm.s32 $0x7;
	s3 =	sadd.s32 s3, s1  }
0xa: {  	s10 =	sshrl.u32 s8, $0x1;
	s6 =	smul.u32 $0x2800, s0;
	s18 =	sshrl.u32 s9, $0x2  }
0xb: {  	[dreg:$0x4] =	wrdreg s21;
	s21 =	simm.s32 $0x5;
	s9 =	simm.s32 $0x0  }
0xc: {  	s17 =	ssub.s32 s8, s10;
	s8 =	sadd.s32 s18, s2;
	s3 =	sadd.s32 $0x14000, s3  }
0xd: {  	s20 =	sshrl.u32 s6, $0x3;
	[dreg:$0x3] =	wrdreg s3;
	s14 =	sor.u32 $0x80, s6  }
0xe: {  	s15 =	sor.u32 $0xC0, s6;
	s16 =	sor.u32 $0x40, s6;
	s0 =	smax.u32 s17, $0x1  }
0xf: {  	s26 =	sshrl.u32 s8, $0x3;
	s8 =	simm.s32 $0x6;
	[dreg:$0x9] =	wrdreg s0  }
0x10: {  	s22 =	sor.u32 $0x8, s20;
	s23 =	sadd.s32 s5, s20;
	[dreg:$0xa] =	wrdreg s26  }
0x11: {  	s24 =	sadd.s32 s1, s20;
	s26 =	simm.s32 $0x14100;
	[dreg:$0x5] =	wrdreg s23  }
0x12: {  	v63 =	vlaneseq.u32;
	s0 =	simm.s32 $0x3;
	s20 =	simm.s32 $0x1C280;
	[dreg:$0x6] =	wrdreg s24  }
0x13: {  	v1 =	vmul.u32 $0x80, v63;
	s25 =	sadd.s32 s5, s22;
	s3 =	sadd.s32 s1, s22;
	s22 =	simm.s32 $0x1  }
0x14: {  	s23 =	simm.s32 $0x40;
	s24 =	simm.s32 $0x14200;
	[dreg:$0x7] =	wrdreg s25  }
0x15: {  	v2 =	vor.u32 $0x800, v1;
	v3 =	vor.u32 $0x1000, v1;
	v4 =	vor.u32 $0x1800, v1;
	[dreg:$0x8] =	wrdreg s3;
	s25 =	simm.s32 $0x16200;
	s3 =	simm.s32 $0x1C200  }
.LBB2_1:
0x16: {  	s10 =	rddreg [dreg:$0x3]  }
0x17: {  	s11 =	rddreg [dreg:$0x4]  }
0x18: {  	s12 =	rddreg [dreg:$0xa]  }
0x19: {  	[spmem:s12], [sflag:s11] =	dma.local [hbm:s10], $0x2800  }
0x1a: {  	_ =	swait.ge [sflag:s19], $0x2800  }
0x1b: {  	[sflag:s19] =	ssyncset.done $0x0  }
0x1c: {  	[sflag:s19] =	ssyncadd.s32 $0xFFFFD800  }
0x1d: {  	[bflag:$0x0] =	sbarrier.arrive $0xFFFF  }
0x1e: {  	s18 =	simm.s32 $0x14000;
	s17 =	rddreg [dreg:$0x5]  }
0x1f: {  	[tilespmem:s18], [sflag:$0x1] =	stream.linear.gather [hbm4b:s17+s4], $0x40, $0x38;
	[tilespmem:$0x1C300] =	vst v63  }
0x20: {  	s13 =	simm.s32 $0x14080;
	s12 =	rddreg [dreg:$0x6]  }
0x21: {  	[tilespmem:s13], [sflag:$0x1] =	stream.linear.gather [hbm4b:s12+s4], $0x40, $0x38;
	[tilespmem:$0x1C300] =	vst v63  }
0x22: {  	_ =	swait.ge [sflag:s22], $0x40  }
0x23: {  	[sflag:s22] =	ssyncset.done $0x0  }
0x24: {  	[sflag:s22] =	ssyncadd.s32 $0xFFFFFFC0  }
0x25: {  	_ =	swait.ge [sflag:s22], $0x40  }
0x26: {  	[sflag:s22] =	ssyncset.done $0x0  }
0x27: {  	[sflag:s22] =	ssyncadd.s32 $0xFFFFFFC0  }
0x28: {  	[tilespmem:s24], [sflag:$0x3] =	stream.indirect.gather [spmem:s2], $0x80, s18, s23, $0xb8;
	[tilespmem:$0x1C300] =	vst v63  }
0x29: {  	_ = 	snop  }
0x2a: {  	[tilespmem:s25], [sflag:$0x3] =	stream.indirect.gather [spmem:s2], $0x80, s13, s23, $0xb8;
	[tilespmem:$0x1C300] =	vst v63  }
0x2b: {  	s17 =	rddreg [dreg:$0x7]  }
0x2c: {  	[tilespmem:s26], [sflag:$0x2] =	stream.linear.gather [hbm4b:s17+s4], $0x40, $0x38;
	[tilespmem:$0x1C300] =	vst v63  }
0x2d: {  	s10 =	simm.s32 $0x0;
	s18 =	rddreg [dreg:$0x8]  }
0x2e: {  	[tilespmem:s28], [sflag:$0x2] =	stream.linear.gather [hbm4b:s18+s4], $0x40, $0x38;
	[tilespmem:$0x1C300] =	vst v63  }
.LBB2_2:
0x2f: {  	_ =	swait.ge [sflag:s29], $0x40  }
0x30: {  	[sflag:s29] =	ssyncset.done $0x0  }
0x31: {  	[sflag:s29] =	ssyncadd.s32 $0xFFFFFFC0  }
0x32: {  	_ =	swait.ge [sflag:s29], $0x40  }
0x33: {  	[sflag:s29] =	ssyncset.done $0x0  }
0x34: {  	[sflag:s29] =	ssyncadd.s32 $0xFFFFFFC0  }
0x35: {  	[tilespmem:s30], [sflag:$0x4] =	stream.indirect.gather [spmem:s2], $0x80, s26, s23, $0xb8;
	[tilespmem:$0x1C300] =	vst v63  }
0x36: {  	_ = 	snop  }
0x37: {  	[tilespmem:s31], [sflag:$0x4] =	stream.indirect.gather [spmem:s2], $0x80, s28, s23, $0xb8;
	[tilespmem:$0x1C300] =	vst v63  }
0x38: {  	_ =	swait.ge [sflag:s0], $0x2000  }
0x39: {  	p0 =	seq.s32 s10, $0x4F;
	s11 =	simm.s32 $0x7;
	[sflag:s0] =	ssyncset.done $0x0  }
0x3a: {  	s12 =	sshll.u32 @!p0 s10, $0x7;
	v5 =	vadd.s32 s11, v63;
	[sflag:s0] =	ssyncadd.s32 $0xFFFFE000  }
0x3b: {  	s18 =	simm.s32 $0x6;
	s11 =	sadd.s32 @!p0 s12, s14;
	v0 =	vand.u32 $0x7F, v5;
	_ =	swait.ge [sflag:s0], $0x2000  }
0x3c: {  	s13 =	simm.s32 @!p0 $0x0;
	s11 =	sshrl.u32 @!p0 s11, $0x3;
	v5 =	vor.u32 v1, v0;
	[sflag:s0] =	ssyncset.done $0x0  }
0x3d: {  	s17 =	simm.s32 @!p0 $0x14000;
	s12 =	sadd.s32 @!p0 s5, s11;
	[sflag:s0] =	ssyncadd.s32 $0xFFFFE000  }
0x3e: {  	v6 =	vor.u32 v2, v0;
	[tilespmem:s17], [sflag:$0x1] =	stream.linear.gather @!p0 [hbm4b:s12+s13], $0x40, $0x38;
	[tilespmem:$0x1C300] =	vst v63  }
0x3f: {  	v8 =	vadd.s32 s18, v63;
	s18 =	simm.s32 $0x4;
	s11 =	sadd.s32 @!p0 s1, s11;
	s12 =	simm.s32 @!p0 $0x14080  }
0x40: {  	v61 =	vadd.s32 s18, v63;
	v9 =	vor.u32 v3, v0;
	[tilespmem:s12], [sflag:$0x1] =	stream.linear.gather @!p0 [hbm4b:s11+s13], $0x40, $0x38;
	[tilespmem:$0x1C300] =	vst v63  }
0x41: {  	v21 =	vand.u32 $0x7F, v61;
	v16 =	vld.idx.msk [tilespmem:v5+s24+$0x0], $0xffff  }
0x42: {  	v22 =	vor.u32 v2, v21;
	v17 =	vld.idx.msk [tilespmem:v5+s25+$0x0], $0xffff  }
0x43: {  	[tilespmem:$0x1FF90] =	vst v0;
	v0 =	vand.u32 $0x7F, v8;
	v18 =	vld.idx.msk [tilespmem:v6+s24+$0x0], $0xffff  }
0x44: {  	v8 =	vor.u32 v1, v0;
	v19 =	vld.idx.msk [tilespmem:v6+s25+$0x0], $0xffff  }
0x45: {  	s17 =	simm.s32 $0x5;
	v62 =	vld.idx.msk [tilespmem:v9+s24+$0x0], $0xffff  }
0x46: {  	v10 =	vor.u32 v2, v0;
	[tilespmem:$0x1FFA0] =	vst v0;
	v14 =	vor.u32 v3, v0;
	v11 =	vadd.s32 s17, v63;
	v0 =	vld.idx.msk [tilespmem:v9+s25+$0x0], $0xffff  }
0x47: {  	v13 =	vand.u32 $0x7F, v11;
	v39 =	vld.idx.msk [tilespmem:v22+s24+$0x0], $0xffff  }
0x48: {  	v15 =	vor.u32 v2, v13;
	v41 =	vld.idx.msk [tilespmem:v22+s25+$0x0], $0xffff  }
0x49: {  	v23 =	vld.idx.msk [tilespmem:v8+s24+$0x0], $0xffff  }
0x4a: {  	v27 =	vld.idx.msk [tilespmem:v8+s25+$0x0], $0xffff  }
0x4b: {  	v11 =	vor.u32 v1, v13;
	v29 =	vld.idx.msk [tilespmem:v10+s24+$0x0], $0xffff  }
0x4c: {  	s13 =	simm.s32 $0x2;
	[tilespmem:$0x1FFB0] =	vst v0;
	v0 =	vld.idx.msk [tilespmem:v14+s24+$0x0], $0xffff  }
0x4d: {  	s12 =	simm.s32 $0x3;
	v22 =	vadd.s32 s13, v63;
	v33 =	vld.idx.msk [tilespmem:v15+s24+$0x0], $0xffff  }
0x4e: {  	v24 =	vor.u32 v3, v21;
	v47 =	vand.u32 $0x7F, v22;
	v34 =	vld.idx.msk [tilespmem:v15+s25+$0x0], $0xffff;
	v15 =	vadd.s32 s12, v63  }
0x4f: {  	v30 =	vld.idx.msk [tilespmem:v10+s25+$0x0], $0xffff;
	v22 =	vor.u32 v1, v47;
	v36 =	vand.u32 $0x7F, v15  }
0x50: {  	v31 =	vld.idx.msk [tilespmem:v11+s24+$0x0], $0xffff;
	v25 =	vor.u32 v2, v36  }
0x51: {  	v32 =	vld.idx.msk [tilespmem:v11+s25+$0x0], $0xffff  }
0x52: {  	v20 =	vor.u32 v3, v13;
	[tilespmem:$0x1FFC0] =	vst v0;
	v0 =	vld.idx.msk [tilespmem:v14+s25+$0x0], $0xffff  }
0x53: {  	v15 =	vld.idx.msk [tilespmem:v24+s25+$0x0], $0xffff;
	v14 =	vor.u32 v1, v21  }
0x54: {  	v46 =	vld.idx.msk [tilespmem:v22+s24+$0x0], $0xffff  }
0x55: {  	v44 =	vld.idx.msk [tilespmem:v25+s24+$0x0], $0xffff  }
0x56: {  	v45 =	vld.idx.msk [tilespmem:v25+s25+$0x0], $0xffff  }
0x57: {  	v28 =	vor.u32 v3, v36;
	[tilespmem:$0x1FFD0] =	vst v0;
	v0 =	vld.idx.msk [tilespmem:v20+s24+$0x0], $0xffff  }
0x58: {  	v35 =	vld.idx.msk [tilespmem:v14+s24+$0x0], $0xffff  }
0x59: {  	s17 =	simm.s32 $0x1;
	v38 =	vld.idx.msk [tilespmem:v14+s25+$0x0], $0xffff  }
0x5a: {  	v25 =	vor.u32 v3, v47;
	v14 =	vld.idx.msk [tilespmem:v24+s24+$0x0], $0xffff;
	v24 =	vadd.s32 s17, v63  }
0x5b: {  	v48 =	vld.idx.msk [tilespmem:v22+s25+$0x0], $0xffff;
	v57 =	vand.u32 $0x7F, v24  }
0x5c: {  	v26 =	vld.idx.msk [tilespmem:v28+s24+$0x0], $0xffff;
	v24 =	vor.u32 v1, v57  }
0x5d: {  	v28 =	vld.idx.msk [tilespmem:v28+s25+$0x0], $0xffff  }
0x5e: {  	[tilespmem:$0x1FFE0] =	vst v0;
	v0 =	vld.idx.msk [tilespmem:v20+s25+$0x0], $0xffff;
	v20 =	vor.u32 v1, v36  }
0x5f: {  	v37 =	vld.idx.msk [tilespmem:v25+s24+$0x0], $0xffff  }
0x60: {  	v22 =	vor.u32 v2, v57;
	v40 =	vld.idx.msk [tilespmem:v25+s25+$0x0], $0xffff  }
0x61: {  	v53 =	vld.idx.msk [tilespmem:v24+s24+$0x0], $0xffff  }
0x62: {  	v52 =	vor.u32 v3, v57;
	v55 =	vld.idx.msk [tilespmem:v24+s25+$0x0], $0xffff  }
0x63: {  	v42 =	vld.idx.msk [tilespmem:v20+s24+$0x0], $0xffff  }
0x64: {  	v43 =	vld.idx.msk [tilespmem:v20+s25+$0x0], $0xffff;
	v20 =	vor.u32 v2, v47  }
0x65: {  	v54 =	vld.idx.msk [tilespmem:v22+s24+$0x0], $0xffff  }
0x66: {  	s18 =	simm.s32 $0x0;
	v56 =	vld.idx.msk [tilespmem:v22+s25+$0x0], $0xffff  }
0x67: {  	v24 =	vadd.s32 s18, v63;
	v50 =	vld.idx.msk [tilespmem:v52+s24+$0x0], $0xffff  }
0x68: {  	v25 =	vimm.f32 $0.0e+00;
	v52 =	vld.idx.msk [tilespmem:v52+s25+$0x0], $0xffff;
	v60 =	vand.u32 $0x7F, v24  }
0x69: {  	v22 =	vimm.f32 $0.0e+00;
	v24 =	vimm.f32 $0.0e+00;
	v61 =	vor.u32 v1, v60;
	v49 =	vld.idx.msk [tilespmem:v20+s24+$0x0], $0xffff  }
0x6a: {  	s11 =	simm.s32 $0xF;
	v59 =	vor.u32 v2, v60;
	v58 =	vor.u32 v3, v60;
	[tilespmem:$0x1FFF0] =	vst v0;
	v51 =	vld.idx.msk [tilespmem:v20+s25+$0x0], $0xffff;
	v20 =	vimm.f32 $0.0e+00  }
.LBB2_3:
0x6b: {  	_ = 	snop  }
0x6c: {  	s12 =	sadd.s32 $0xFFFFFFFF, s11;
	v6 =	vlaneseq.u32;
	s13 =	sadd.s32 $0xFFFFFFFE, s11  }
0x6d: {  	v63 =	vadd.s32 s11, v6;
	v0 =	vadd.s32 s12, v6;
	v6 =	vadd.s32 s13, v6  }
0x6e: {  	v60 =	vor.u32 v4, v60;
	[tilespmem:$0x1FF80] =	vst v6;
	v6 =	vld [tilespmem:$0x1FF90]  }
0x6f: {  	[tilespmem:$0x1FF70] =	vst v62;
	v62 =	vld.idx.msk [tilespmem:v61+s24+$0x0], $0xffff  }
0x70: {  	v61 =	vld.idx.msk [tilespmem:v61+s25+$0x0], $0xffff  }
0x71: {  	v5 =	vld.idx.msk [tilespmem:v59+s24+$0x0], $0xffff;
	v63 =	vand.u32 $0x7F, v63  }
0x72: {  	v59 =	vld.idx.msk [tilespmem:v59+s25+$0x0], $0xffff;
	v57 =	vor.u32 v4, v57;
	v12 =	vmul.f32 v17, v16;
	v17 =	vmov v63  }
0x73: {  	v16 =	vld.idx.msk [tilespmem:v60+s24+$0x0], $0xffff;
	v11 =	vor.u32 v4, v6;
	v6 =	vmul.f32 v19, v18;
	v18 =	vor.u32 v4, v36  }
0x74: {  	[tilespmem:$0x1FF90] =	vst v17;
	v17 =	vld.idx.msk [tilespmem:v60+s25+$0x0], $0xffff  }
0x75: {  	v10 =	vld.idx.msk [tilespmem:v58+s24+$0x0], $0xffff  }
0x76: {  	v58 =	vld.idx.msk [tilespmem:v58+s25+$0x0], $0xffff;
	v23 =	vmul.f32 v27, v23  }
0x77: {  	v47 =	vor.u32 v4, v47;
	v27 =	vmul.f32 v30, v29;
	v29 =	vmul.f32 v34, v33;
	v34 =	vld.idx.msk [tilespmem:v57+s25+$0x0], $0xffff  }
0x78: {  	v61 =	vmul.f32 v61, v62;
	v62 =	vld.idx.msk [tilespmem:v18+s24+$0x0], $0xffff  }
0x79: {  	v21 =	vor.u32 v4, v21;
	v16 =	vmul.f32 v17, v16;
	v17 =	vld.idx.msk [tilespmem:v18+s25+$0x0], $0xffff  }
0x7a: {  	v33 =	vmul.f32 v41, v39;
	v18 =	vld [tilespmem:$0x1FFA0]  }
0x7b: {  	v39 =	vmul.f32 v48, v46;
	v0 =	vand.u32 $0x7F, v0;
	v19 =	vmul.f32 v32, v31;
	v31 =	vld.idx.msk [tilespmem:v57+s24+$0x0], $0xffff  }
0x7c: {  	v41 =	vmul.f32 v51, v49;
	v46 =	vor.u32 v3, v0;
	v55 =	vmul.f32 v55, v53;
	v60 =	vld.idx.msk [tilespmem:v47+s25+$0x0], $0xffff  }
0x7d: {  	v13 =	vor.u32 v4, v13;
	v32 =	vmul.f32 v38, v35;
	v35 =	vmul.f32 v43, v42;
	v42 =	vld.idx.msk [tilespmem:v47+s24+$0x0], $0xffff  }
0x7e: {  	v5 =	vmul.f32 v59, v5;
	v10 =	vmul.f32 v58, v10;
	v53 =	vld.idx.msk [tilespmem:v21+s24+$0x0], $0xffff  }
0x7f: {  	v21 =	vld.idx.msk [tilespmem:v21+s25+$0x0], $0xffff;
	v57 =	vmul.f32 v56, v54;
	v20 =	vadd.f32 v61, v20;
	v18 =	vor.u32 v4, v18  }
0x80: {  	v58 =	vld [tilespmem:$0x1FF80];
	v5 =	vadd.f32 v5, v25;
	v16 =	vadd.f32 v16, v22;
	v22 =	vmul.f32 v34, v31  }
0x81: {  	v25 =	vmul.f32 v52, v50;
	v10 =	vadd.f32 v10, v24;
	v59 =	vld.idx.msk [tilespmem:v46+s25+$0x0], $0xffff;
	v20 =	vadd.f32 v55, v20  }
0x82: {  	v5 =	vadd.f32 v57, v5;
	v31 =	vld.idx.msk [tilespmem:v13+s24+$0x0], $0xffff;
	v16 =	vadd.f32 v22, v16;
	v22 =	vmul.f32 v60, v42  }
0x83: {  	v7 =	vor.u32 v1, v63;
	v10 =	vadd.f32 v25, v10;
	v20 =	vadd.f32 v39, v20;
	v13 =	vld.idx.msk [tilespmem:v13+s25+$0x0], $0xffff  }
0x84: {  	v25 =	vmul.f32 v28, v26;
	v16 =	vadd.f32 v22, v16;
	v17 =	vmul.f32 v17, v62;
	v26 =	vld.idx.msk [tilespmem:v18+s24+$0x0], $0xffff  }
0x85: {  	v24 =	vmul.f32 v40, v37;
	v22 =	vld.idx.msk [tilespmem:v18+s25+$0x0], $0xffff;
	v18 =	vadd.f32 v35, v20  }
0x86: {  	v36 =	vmul.f32 v45, v44;
	v5 =	vadd.f32 v41, v5;
	v20 =	vadd.f32 v17, v16;
	v17 =	vld [tilespmem:$0x1FFE0]  }
0x87: {  	v21 =	vmul.f32 v21, v53;
	v10 =	vadd.f32 v24, v10;
	v24 =	vadd.f32 v32, v18;
	v18 =	vld [tilespmem:$0x1FFF0]  }
0x88: {  	v5 =	vadd.f32 v36, v5;
	v16 =	vld.idx.msk [tilespmem:v7+s24+$0x0], $0xffff  }
0x89: {  	v13 =	vmul.f32 v13, v31;
	v54 =	vadd.f32 v21, v20;
	v20 =	vld [tilespmem:$0x1FFD0]  }
0x8a: {  	v9 =	vor.u32 v3, v63;
	v5 =	vadd.f32 v33, v5;
	v21 =	vld [tilespmem:$0x1FF70]  }
0x8b: {  	v14 =	vmul.f32 v15, v14;
	v10 =	vadd.f32 v25, v10;
	v55 =	vadd.f32 v13, v54;
	v13 =	vld [tilespmem:$0x1FFB0]  }
0x8c: {  	v5 =	vadd.f32 v29, v5;
	v25 =	vmul.f32 v18, v17;
	v17 =	vld.idx.msk [tilespmem:v7+s25+$0x0], $0xffff  }
0x8d: {  	v7 =	vadd.f32 v14, v10;
	v14 =	vadd.f32 v19, v24;
	v19 =	vld [tilespmem:$0x1FFC0]  }
0x8e: {  	v38 =	vor.u32 v2, v0;
	v15 =	vld.idx.msk [tilespmem:v11+s24+$0x0], $0xffff  }
0x8f: {  	v30 =	vor.u32 v1, v0;
	v11 =	vld.idx.msk [tilespmem:v11+s25+$0x0], $0xffff;
	v56 =	vmul.f32 v22, v26;
	v22 =	vadd.f32 v27, v5  }
0x90: {  	v8 =	vor.u32 v2, v63;
	v62 =	vld.idx.msk [tilespmem:v9+s24+$0x0], $0xffff;
	v7 =	vadd.f32 v25, v7  }
0x91: {  	v21 =	vmul.f32 v13, v21;
	v13 =	vand.u32 $0x7F, v58;
	v25 =	vadd.f32 v6, v22;
	v6 =	vld.idx.msk [tilespmem:v46+s24+$0x0], $0xffff  }
0x92: {  	v9 =	vld.idx.msk [tilespmem:v9+s25+$0x0], $0xffff;
	v5 =	vmov v0;
	v0 =	vor.u32 v1, v13;
	v20 =	vmul.f32 v20, v19  }
0x93: {  	v29 =	vld.idx.msk [tilespmem:v38+s24+$0x0], $0xffff  }
0x94: {  	v27 =	vld.idx.msk [tilespmem:v30+s25+$0x0], $0xffff;
	[tilespmem:$0x1FFA0] =	vst v5;
	v5 =	vor.u32 v2, v13;
	v7 =	vadd.f32 v20, v7  }
0x95: {  	s17 =	sadd.s32 $0xFFFFFFFD, s11;
	v63 =	vlaneseq.u32;
	v18 =	vld.idx.msk [tilespmem:v8+s24+$0x0], $0xffff;
	v14 =	vadd.f32 v23, v14  }
0x96: {  	v23 =	vld.idx.msk [tilespmem:v30+s24+$0x0], $0xffff;
	[tilespmem:$0x1FFC0] =	vst v6;
	v6 =	vadd.s32 s17, v63;
	v24 =	vadd.f32 v21, v7;
	v7 =	vor.u32 v3, v13  }
0x97: {  	v31 =	vld.idx.msk [tilespmem:v0+s24+$0x0], $0xffff;
	v21 =	vand.u32 $0x7F, v6  }
0x98: {  	v32 =	vld.idx.msk [tilespmem:v0+s25+$0x0], $0xffff;
	v0 =	vor.u32 v2, v21  }
0x99: {  	v33 =	vld.idx.msk [tilespmem:v5+s24+$0x0], $0xffff  }
0x9a: {  	v34 =	vld.idx.msk [tilespmem:v5+s25+$0x0], $0xffff  }
0x9b: {  	v5 =	vld.idx.msk [tilespmem:v7+s24+$0x0], $0xffff  }
0x9c: {  	v30 =	vld.idx.msk [tilespmem:v38+s25+$0x0], $0xffff;
	v6 =	vor.u32 v1, v21  }
0x9d: {  	s13 =	sadd.s32 $0xFFFFFFFB, s11;
	v39 =	vld.idx.msk [tilespmem:v0+s24+$0x0], $0xffff  }
0x9e: {  	v60 =	vor.u32 v3, v21;
	v41 =	vld.idx.msk [tilespmem:v0+s25+$0x0], $0xffff;
	v0 =	vadd.s32 s13, v63  }
0x9f: {  	s18 =	sadd.s32 $0xFFFFFFFC, s11;
	v19 =	vld.idx.msk [tilespmem:v8+s25+$0x0], $0xffff;
	v47 =	vand.u32 $0x7F, v0  }
0xa0: {  	v7 =	vld.idx.msk [tilespmem:v7+s25+$0x0], $0xffff;
	v0 =	vor.u32 v1, v47;
	[tilespmem:$0x1FFE0] =	vst v5;
	v5 =	vadd.s32 s18, v63  }
0xa1: {  	v35 =	vld.idx.msk [tilespmem:v6+s24+$0x0], $0xffff;
	v36 =	vand.u32 $0x7F, v5  }
0xa2: {  	v38 =	vld.idx.msk [tilespmem:v6+s25+$0x0], $0xffff;
	v5 =	vor.u32 v1, v36  }
0xa3: {  	v20 =	vadd.f32 v12, v14;
	v14 =	vld.idx.msk [tilespmem:v60+s24+$0x0], $0xffff  }
0xa4: {  	v57 =	vmul.f32 v11, v15;
	v15 =	vld.idx.msk [tilespmem:v60+s25+$0x0], $0xffff;
	v6 =	vor.u32 v2, v36  }
0xa5: {  	v46 =	vld.idx.msk [tilespmem:v0+s24+$0x0], $0xffff  }
0xa6: {  	v61 =	vor.u32 v3, v47;
	v48 =	vld.idx.msk [tilespmem:v0+s25+$0x0], $0xffff  }
0xa7: {  	v42 =	vld.idx.msk [tilespmem:v5+s24+$0x0], $0xffff  }
0xa8: {  	[tilespmem:$0x1FFF0] =	vst v7;
	v7 =	vor.u32 v3, v36;
	v43 =	vld.idx.msk [tilespmem:v5+s25+$0x0], $0xffff  }
0xa9: {  	v8 =	vadd.f32 v56, v55;
	s17 =	sadd.s32 $0xFFFFFFFA, s11;
	v44 =	vld.idx.msk [tilespmem:v6+s24+$0x0], $0xffff  }
0xaa: {  	v5 =	vor.u32 v2, v47;
	v45 =	vld.idx.msk [tilespmem:v6+s25+$0x0], $0xffff;
	v6 =	vadd.s32 s17, v63  }
0xab: {  	v22 =	vadd.f32 v57, v8;
	v37 =	vld.idx.msk [tilespmem:v61+s24+$0x0], $0xffff;
	v57 =	vand.u32 $0x7F, v6  }
0xac: {  	v40 =	vld.idx.msk [tilespmem:v61+s25+$0x0], $0xffff;
	v6 =	vor.u32 v1, v57  }
0xad: {  	v26 =	vld.idx.msk [tilespmem:v7+s24+$0x0], $0xffff  }
0xae: {  	v28 =	vld.idx.msk [tilespmem:v7+s25+$0x0], $0xffff;
	v0 =	vor.u32 v2, v57  }
0xaf: {  	v49 =	vld.idx.msk [tilespmem:v5+s24+$0x0], $0xffff  }
0xb0: {  	v7 =	vor.u32 v3, v57;
	v51 =	vld.idx.msk [tilespmem:v5+s25+$0x0], $0xffff  }
0xb1: {  	p1 =	sne.s32 s11, $0x7F;
	v53 =	vld.idx.msk [tilespmem:v6+s24+$0x0], $0xffff  }
.Ltmp0:
0xb2: {  	v55 =	vld.idx.msk [tilespmem:v6+s25+$0x0], $0xffff;
	(pc) =	sbr.rel @p1 .LBB2_3-.Ltmp0, $4  }
0xb3: {  	s18 =	sadd.s32 $0xFFFFFFF9, s11;
	v54 =	vld.idx.msk [tilespmem:v0+s24+$0x0], $0xffff  }
0xb4: {  	[tilespmem:$0x1FFD0] =	vst v59;
	v5 =	vadd.s32 s18, v63;
	v56 =	vld.idx.msk [tilespmem:v0+s25+$0x0], $0xffff  }
0xb5: {  	[tilespmem:$0x1FFB0] =	vst v9;
	v60 =	vand.u32 $0x7F, v5;
	v50 =	vld.idx.msk [tilespmem:v7+s24+$0x0], $0xffff  }
0xb6: {  	s11 =	sadd.s32 $0x8, s11;
	v61 =	vor.u32 v1, v60;
	v59 =	vor.u32 v2, v60;
	v58 =	vor.u32 v3, v60;
	v52 =	vld.idx.msk [tilespmem:v7+s25+$0x0], $0xffff  }
0xb7: {  	_ =	sdelay $0x3  }
0xb8: {  	v0 =	vld.idx.msk [tilespmem:v61+s24+$0x0], $0xffff  }
0xb9: {  	v5 =	vld.idx.msk [tilespmem:v61+s25+$0x0], $0xffff  }
0xba: {  	v6 =	vor.u32 v4, v60;
	v7 =	vld.idx.msk [tilespmem:v59+s24+$0x0], $0xffff  }
0xbb: {  	v10 =	vld.idx.msk [tilespmem:v59+s25+$0x0], $0xffff  }
0xbc: {  	v8 =	vmul.f32 v17, v16;
	v9 =	vmul.f32 v19, v18;
	v16 =	vld.idx.msk [tilespmem:v58+s24+$0x0], $0xffff;
	v19 =	vor.u32 v4, v47  }
0xbd: {  	v18 =	vld.idx.msk [tilespmem:v58+s25+$0x0], $0xffff  }
0xbe: {  	v61 =	vmul.f32 v48, v46;
	v46 =	vmul.f32 v55, v53;
	v55 =	vld [tilespmem:$0x1FFC0]  }
0xbf: {  	v11 =	vor.u32 v4, v57;
	v17 =	vmul.f32 v30, v29;
	v29 =	vld.idx.msk [tilespmem:v6+s24+$0x0], $0xffff  }
0xc0: {  	v6 =	vld.idx.msk [tilespmem:v6+s25+$0x0], $0xffff  }
0xc1: {  	v47 =	vld.idx.msk [tilespmem:v19+s24+$0x0], $0xffff  }
0xc2: {  	v57 =	vor.u32 v4, v36;
	v59 =	vmul.f32 v45, v44;
	v45 =	vmul.f32 v51, v49;
	v49 =	vld.idx.msk [tilespmem:v19+s25+$0x0], $0xffff  }
0xc3: {  	v13 =	vor.u32 v4, v13;
	v19 =	vld [tilespmem:$0x1FFA0]  }
0xc4: {  	v60 =	vld.idx.msk [tilespmem:v11+s24+$0x0], $0xffff  }
0xc5: {  	v21 =	vor.u32 v4, v21;
	v11 =	vld.idx.msk [tilespmem:v11+s25+$0x0], $0xffff;
	v0 =	vmul.f32 v5, v0;
	v7 =	vmul.f32 v10, v7  }
0xc6: {  	v5 =	vld [tilespmem:$0x1FF90];
	v16 =	vmul.f32 v18, v16  }
0xc7: {  	v12 =	vmul.f32 v27, v23;
	v18 =	vld.idx.msk [tilespmem:v57+s24+$0x0], $0xffff;
	v0 =	vadd.f32 v0, v20;
	v7 =	vadd.f32 v7, v25  }
0xc8: {  	v51 =	vld.idx.msk [tilespmem:v13+s25+$0x0], $0xffff;
	v25 =	vmul.f32 v52, v50;
	v16 =	vadd.f32 v16, v24;
	v19 =	vor.u32 v4, v19  }
0xc9: {  	v30 =	vmul.f32 v38, v35;
	v20 =	vld.idx.msk [tilespmem:v57+s25+$0x0], $0xffff;
	v0 =	vadd.f32 v46, v0;
	v6 =	vmul.f32 v6, v29  }
0xca: {  	v58 =	vmul.f32 v43, v42;
	v48 =	vmul.f32 v56, v54;
	v24 =	vld.idx.msk [tilespmem:v21+s24+$0x0], $0xffff;
	v16 =	vadd.f32 v25, v16  }
0xcb: {  	v21 =	vld.idx.msk [tilespmem:v21+s25+$0x0], $0xffff;
	v0 =	vadd.f32 v61, v0;
	v6 =	vadd.f32 v6, v22;
	v22 =	vmul.f32 v40, v37  }
0xcc: {  	v7 =	vadd.f32 v48, v7;
	v25 =	vld.idx.msk [tilespmem:v13+s24+$0x0], $0xffff;
	v5 =	vor.u32 v4, v5;
	v11 =	vmul.f32 v11, v60  }
0xcd: {  	v13 =	vmul.f32 v28, v26;
	v0 =	vadd.f32 v58, v0;
	v16 =	vadd.f32 v22, v16;
	v22 =	vld.idx.msk [tilespmem:v19+s24+$0x0], $0xffff  }
0xce: {  	v10 =	vmul.f32 v49, v47;
	v52 =	vmul.f32 v20, v18;
	v6 =	vadd.f32 v11, v6;
	v18 =	vld.idx.msk [tilespmem:v19+s25+$0x0], $0xffff  }
0xcf: {  	v23 =	vmul.f32 v32, v31;
	v7 =	vadd.f32 v45, v7;
	v0 =	vadd.f32 v30, v0;
	v19 =	vld [tilespmem:$0x1FFF0]  }
0xd0: {  	v14 =	vmul.f32 v15, v14;
	v6 =	vadd.f32 v10, v6;
	v13 =	vadd.f32 v13, v16;
	v16 =	vld [tilespmem:$0x1FFE0]  }
0xd1: {  	v31 =	vmul.f32 v41, v39;
	p1 =	seq.s32 s10, $0x0;
	v7 =	vadd.f32 v59, v7;
	v15 =	vld.idx.msk [tilespmem:v5+s24+$0x0], $0xffff;
	v0 =	vadd.f32 v23, v0  }
0xd2: {  	s11 =	simm.s32 @!p1 $0x5;
	v53 =	vmul.f32 v21, v24;
	v6 =	vadd.f32 v52, v6;
	v13 =	vadd.f32 v14, v13;
	v14 =	vld [tilespmem:$0x1FFD0]  }
0xd3: {  	v27 =	vmul.f32 v34, v33;
	v7 =	vadd.f32 v31, v7;
	v5 =	vld.idx.msk [tilespmem:v5+s25+$0x0], $0xffff;
	_ =	swait.ge @!p1 [sflag:s11], $0x40  }
0xd4: {  	v54 =	vmul.f32 v51, v25;
	v0 =	vadd.f32 v12, v0;
	v12 =	vld [tilespmem:$0x1FFB0];
	v6 =	vadd.f32 v53, v6  }
0xd5: {  	v7 =	vadd.f32 v27, v7;
	v16 =	vmul.f32 v19, v16  }
0xd6: {  	v56 =	vmul.f32 v18, v22;
	v6 =	vadd.f32 v54, v6  }
0xd7: {  	v7 =	vadd.f32 v17, v7;
	v11 =	vmul.f32 v14, v55;
	v13 =	vadd.f32 v16, v13  }
0xd8: {  	[sflag:s11] =	ssyncset.done @!p1 $0x0;
	v5 =	vmul.f32 v5, v15;
	v0 =	vadd.f32 v8, v0;
	v6 =	vadd.f32 v56, v6  }
0xd9: {  	[sflag:s11] =	ssyncadd.s32 @!p1 $0xFFFFFFC0;
	v7 =	vadd.f32 v9, v7;
	v12 =	vmul.f32 v12, v62;
	v11 =	vadd.f32 v11, v13  }
0xda: {  	s11 =	sshll.u32 s10, $0x7;
	[tilespmem:$0x1C200] =	vst v0;
	v0 =	vadd.f32 v5, v6  }
0xdb: {  	s12 =	sadd.s32 s6, s11;
	[tilespmem:$0x1C210] =	vst v7;
	v57 =	vadd.f32 v12, v11  }
0xdc: {  	s12 =	sshrl.u32 s12, $0x3;
	[tilespmem:$0x1C230] =	vst v0  }
0xdd: {  	s12 =	sadd.s32 s7, s12;
	[tilespmem:$0x1C220] =	vst v57  }
0xde: {  	[hbm4b:s12+s4] =	stream.linear.scatter [tilespmem:s3], [sflag:$0x5], $0x40, $0x38;
	[tilespmem:$0x1C300] =	vst v63  }
0xdf: {  	s12 =	simm.s32 @p0 $0x4  }
0xe0: {  	_ =	swait.ge @p0 [sflag:s12], $0x2000  }
0xe1: {  	[sflag:s12] =	ssyncset.done @p0 $0x0  }
0xe2: {  	[sflag:s12] =	ssyncadd.s32 @p0 $0xFFFFE000  }
0xe3: {  	_ =	swait.ge @p0 [sflag:s12], $0x2000  }
0xe4: {  	[sflag:s12] =	ssyncset.done @p0 $0x0  }
0xe5: {  	[sflag:s12] =	ssyncadd.s32 @p0 $0xFFFFE000;
	s12 =	simm.s32 @!p0 $0x1  }
0xe6: {  	_ =	swait.ge @!p0 [sflag:s12], $0x40  }
0xe7: {  	[sflag:s12] =	ssyncset.done @!p0 $0x0  }
0xe8: {  	[sflag:s12] =	ssyncadd.s32 @!p0 $0xFFFFFFC0  }
0xe9: {  	_ =	swait.ge @!p0 [sflag:s12], $0x40  }
0xea: {  	s13 =	simm.s32 @!p0 $0x14000;
	[sflag:s12] =	ssyncset.done @!p0 $0x0  }
0xeb: {  	s17 =	simm.s32 @!p0 $0x14200;
	[sflag:s12] =	ssyncadd.s32 @!p0 $0xFFFFFFC0;
	s12 =	simm.s32 @!p0 $0x40  }
0xec: {  	[tilespmem:s17], [sflag:$0x3] =	stream.indirect.gather @!p0 [spmem:s2], $0x80, s13, s12, $0xb8;
	[tilespmem:$0x1C300] =	vst v63  }
0xed: {  	s13 =	simm.s32 @!p0 $0x14080;
	s17 =	simm.s32 @!p0 $0x16200  }
0xee: {  	[tilespmem:s17], [sflag:$0x3] =	stream.indirect.gather @!p0 [spmem:s2], $0x80, s13, s12, $0xb8;
	[tilespmem:$0x1C300] =	vst v63  }
0xef: {  	s12 =	simm.s32 @!p0 $0x4  }
0xf0: {  	_ =	swait.ge @!p0 [sflag:s12], $0x2000  }
0xf1: {  	[sflag:s12] =	ssyncset.done @!p0 $0x0  }
0xf2: {  	s18 =	simm.s32 $0x7;
	[sflag:s12] =	ssyncadd.s32 @!p0 $0xFFFFE000  }
0xf3: {  	v0 =	vadd.s32 s18, v63;
	_ =	swait.ge @!p0 [sflag:s12], $0x2000  }
0xf4: {  	v7 =	vand.u32 $0x7F, v0;
	s13 =	sadd.s32 @!p0 s11, s15;
	[sflag:s12] =	ssyncset.done @!p0 $0x0  }
0xf5: {  	v0 =	vor.u32 v1, v7;
	[sflag:s12] =	ssyncadd.s32 @!p0 $0xFFFFE000;
	s12 =	sshrl.u32 @!p0 s13, $0x3  }
0xf6: {  	s18 =	simm.s32 @!p0 $0x14100;
	s17 =	simm.s32 @!p0 $0x0;
	s13 =	sadd.s32 @!p0 s5, s12  }
0xf7: {  	v5 =	vor.u32 v2, v7;
	[tilespmem:s18], [sflag:$0x2] =	stream.linear.gather @!p0 [hbm4b:s13+s17], $0x40, $0x38;
	[tilespmem:$0x1C300] =	vst v63  }
0xf8: {  	s12 =	sadd.s32 @!p0 s1, s12;
	s13 =	simm.s32 @!p0 $0x14180;
	s18 =	simm.s32 $0x6  }
0xf9: {  	v58 =	vor.u32 v3, v7;
	v6 =	vadd.s32 s18, v63;
	[tilespmem:s13], [sflag:$0x2] =	stream.linear.gather @!p0 [hbm4b:s12+s17], $0x40, $0x38;
	[tilespmem:$0x1C300] =	vst v63  }
0xfa: {  	v6 =	vand.u32 $0x7F, v6;
	v16 =	vld.idx.msk [tilespmem:v0+s30+$0x0], $0xffff  }
0xfb: {  	s13 =	simm.s32 $0x5;
	v17 =	vld.idx.msk [tilespmem:v0+s31+$0x0], $0xffff;
	v0 =	vor.u32 v2, v6  }
0xfc: {  	v18 =	vld.idx.msk [tilespmem:v5+s30+$0x0], $0xffff;
	v60 =	vadd.s32 s13, v63  }
0xfd: {  	v19 =	vld.idx.msk [tilespmem:v5+s31+$0x0], $0xffff;
	v61 =	vor.u32 v3, v6;
	v13 =	vand.u32 $0x7F, v60  }
0xfe: {  	v62 =	vld.idx.msk [tilespmem:v58+s30+$0x0], $0xffff;
	v14 =	vor.u32 v2, v13  }
0xff: {  	v5 =	vld.idx.msk [tilespmem:v58+s31+$0x0], $0xffff  }
0x100: {  	v29 =	vld.idx.msk [tilespmem:v0+s30+$0x0], $0xffff  }
0x101: {  	v59 =	vor.u32 v1, v6;
	v30 =	vld.idx.msk [tilespmem:v0+s31+$0x0], $0xffff  }
0x102: {  	v0 =	vld.idx.msk [tilespmem:v61+s30+$0x0], $0xffff  }
0x103: {  	s18 =	simm.s32 $0x3;
	v10 =	vor.u32 v1, v13;
	v33 =	vld.idx.msk [tilespmem:v14+s30+$0x0], $0xffff  }
0x104: {  	v34 =	vld.idx.msk [tilespmem:v14+s31+$0x0], $0xffff;
	v14 =	vadd.s32 s18, v63  }
0x105: {  	v15 =	vor.u32 v3, v13;
	[tilespmem:$0x1FF20] =	vst v5;
	v5 =	vld.idx.msk [tilespmem:v61+s31+$0x0], $0xffff;
	v36 =	vand.u32 $0x7F, v14  }
0x106: {  	s17 =	simm.s32 $0x4;
	v23 =	vld.idx.msk [tilespmem:v59+s30+$0x0], $0xffff;
	v24 =	vor.u32 v1, v36  }
0x107: {  	v27 =	vld.idx.msk [tilespmem:v59+s31+$0x0], $0xffff;
	[tilespmem:$0x1FF30] =	vst v0;
	v0 =	vadd.s32 s17, v63  }
0x108: {  	v31 =	vld.idx.msk [tilespmem:v10+s30+$0x0], $0xffff;
	v25 =	vor.u32 v3, v36;
	v21 =	vand.u32 $0x7F, v0  }
0x109: {  	v32 =	vld.idx.msk [tilespmem:v10+s31+$0x0], $0xffff;
	v0 =	vor.u32 v1, v21  }
0x10a: {  	[tilespmem:$0x1FF40] =	vst v5;
	v5 =	vld.idx.msk [tilespmem:v15+s30+$0x0], $0xffff  }
0x10b: {  	v20 =	vor.u32 v2, v21;
	v42 =	vld.idx.msk [tilespmem:v24+s30+$0x0], $0xffff  }
0x10c: {  	v43 =	vld.idx.msk [tilespmem:v24+s31+$0x0], $0xffff  }
0x10d: {  	v26 =	vld.idx.msk [tilespmem:v25+s30+$0x0], $0xffff  }
0x10e: {  	v35 =	vld.idx.msk [tilespmem:v0+s30+$0x0], $0xffff  }
0x10f: {  	v22 =	vor.u32 v3, v21;
	v38 =	vld.idx.msk [tilespmem:v0+s31+$0x0], $0xffff  }
0x110: {  	s13 =	simm.s32 $0x2;
	v39 =	vld.idx.msk [tilespmem:v20+s30+$0x0], $0xffff  }
0x111: {  	v0 =	vor.u32 v2, v36;
	v41 =	vld.idx.msk [tilespmem:v20+s31+$0x0], $0xffff;
	v20 =	vadd.s32 s13, v63  }
0x112: {  	v28 =	vld.idx.msk [tilespmem:v25+s31+$0x0], $0xffff;
	v47 =	vand.u32 $0x7F, v20  }
0x113: {  	[tilespmem:$0x1FF50] =	vst v5;
	v5 =	vld.idx.msk [tilespmem:v15+s31+$0x0], $0xffff;
	v20 =	vor.u32 v1, v47  }
0x114: {  	v14 =	vld.idx.msk [tilespmem:v22+s30+$0x0], $0xffff  }
0x115: {  	v15 =	vld.idx.msk [tilespmem:v22+s31+$0x0], $0xffff;
	v22 =	vor.u32 v2, v47  }
0x116: {  	s17 =	simm.s32 $0x1;
	v44 =	vld.idx.msk [tilespmem:v0+s30+$0x0], $0xffff  }
0x117: {  	v24 =	vor.u32 v3, v47;
	v45 =	vld.idx.msk [tilespmem:v0+s31+$0x0], $0xffff;
	v0 =	vadd.s32 s17, v63  }
0x118: {  	v57 =	vand.u32 $0x7F, v0;
	v46 =	vld.idx.msk [tilespmem:v20+s30+$0x0], $0xffff  }
0x119: {  	v0 =	vor.u32 v1, v57;
	v48 =	vld.idx.msk [tilespmem:v20+s31+$0x0], $0xffff  }
0x11a: {  	v49 =	vld.idx.msk [tilespmem:v22+s30+$0x0], $0xffff  }
0x11b: {  	v25 =	vor.u32 v2, v57;
	v51 =	vld.idx.msk [tilespmem:v22+s31+$0x0], $0xffff  }
0x11c: {  	v37 =	vld.idx.msk [tilespmem:v24+s30+$0x0], $0xffff  }
0x11d: {  	v22 =	vor.u32 v3, v57;
	v40 =	vld.idx.msk [tilespmem:v24+s31+$0x0], $0xffff  }
0x11e: {  	v53 =	vld.idx.msk [tilespmem:v0+s30+$0x0], $0xffff  }
0x11f: {  	v55 =	vld.idx.msk [tilespmem:v0+s31+$0x0], $0xffff  }
0x120: {  	v54 =	vld.idx.msk [tilespmem:v25+s30+$0x0], $0xffff  }
0x121: {  	s18 =	simm.s32 $0x0;
	v56 =	vld.idx.msk [tilespmem:v25+s31+$0x0], $0xffff  }
0x122: {  	[tilespmem:$0x1FF00] =	vst v7;
	v20 =	vimm.f32 $0.0e+00;
	v24 =	vimm.f32 $0.0e+00;
	v0 =	vadd.s32 s18, v63;
	v50 =	vld.idx.msk [tilespmem:v22+s30+$0x0], $0xffff  }
0x123: {  	[tilespmem:$0x1FF10] =	vst v6;
	v52 =	vld.idx.msk [tilespmem:v22+s31+$0x0], $0xffff;
	v25 =	vimm.f32 $0.0e+00;
	v22 =	vimm.f32 $0.0e+00;
	v59 =	vand.u32 $0x7F, v0  }
0x124: {  	s12 =	simm.s32 $0xF;
	[tilespmem:$0x1FF60] =	vst v5;
	v61 =	vor.u32 v1, v59;
	v60 =	vor.u32 v2, v59;
	v58 =	vor.u32 v3, v59  }
.LBB2_5:
0x125: {  	_ =	sdelay $0x2  }
0x126: {  	s13 =	sadd.s32 $0xFFFFFFFF, s12;
	s17 =	sadd.s32 $0xFFFFFFFE, s12;
	v6 =	vlaneseq.u32  }
0x127: {  	v0 =	vld.idx.msk [tilespmem:v61+s30+$0x0], $0xffff;
	v11 =	vadd.s32 s12, v63;
	v63 =	vadd.s32 s13, v6;
	v6 =	vadd.s32 s17, v6  }
0x128: {  	v59 =	vor.u32 v4, v59;
	[tilespmem:$0x1FEF0] =	vst v6;
	v6 =	vld [tilespmem:$0x1FF00]  }
0x129: {  	v61 =	vld.idx.msk [tilespmem:v61+s31+$0x0], $0xffff  }
0x12a: {  	v5 =	vld.idx.msk [tilespmem:v60+s30+$0x0], $0xffff  }
0x12b: {  	[tilespmem:$0x1FEE0] =	vst v62;
	v60 =	vld.idx.msk [tilespmem:v60+s31+$0x0], $0xffff;
	v57 =	vor.u32 v4, v57;
	v62 =	vand.u32 $0x7F, v11  }
0x12c: {  	v10 =	vld.idx.msk [tilespmem:v58+s30+$0x0], $0xffff;
	v12 =	vmul.f32 v17, v16;
	v17 =	vmov v62  }
0x12d: {  	v16 =	vld.idx.msk [tilespmem:v59+s30+$0x0], $0xffff;
	v11 =	vor.u32 v4, v6;
	v6 =	vmul.f32 v19, v18;
	v18 =	vor.u32 v4, v36  }
0x12e: {  	[tilespmem:$0x1FF00] =	vst v17;
	v17 =	vld.idx.msk [tilespmem:v59+s31+$0x0], $0xffff  }
0x12f: {  	v58 =	vld.idx.msk [tilespmem:v58+s31+$0x0], $0xffff;
	v23 =	vmul.f32 v27, v23  }
0x130: {  	v27 =	vmul.f32 v30, v29;
	v29 =	vmul.f32 v34, v33;
	v34 =	vld.idx.msk [tilespmem:v57+s31+$0x0], $0xffff  }
0x131: {  	v47 =	vor.u32 v4, v47;
	v7 =	vor.u32 v1, v62;
	v19 =	vmul.f32 v32, v31;
	v31 =	vld.idx.msk [tilespmem:v57+s30+$0x0], $0xffff  }
0x132: {  	v8 =	vor.u32 v2, v62;
	v9 =	vor.u32 v3, v62;
	v62 =	vmul.f32 v55, v53;
	v53 =	vld.idx.msk [tilespmem:v18+s30+$0x0], $0xffff  }
0x133: {  	v16 =	vmul.f32 v17, v16;
	v17 =	vld.idx.msk [tilespmem:v18+s31+$0x0], $0xffff  }
0x134: {  	v21 =	vor.u32 v4, v21;
	v0 =	vmul.f32 v61, v0;
	v10 =	vmul.f32 v58, v10;
	v18 =	vld [tilespmem:$0x1FF10]  }
0x135: {  	v33 =	vmul.f32 v41, v39;
	v13 =	vor.u32 v4, v13;
	v5 =	vmul.f32 v60, v5  }
0x136: {  	v59 =	vld.idx.msk [tilespmem:v47+s30+$0x0], $0xffff;
	v0 =	vadd.f32 v0, v20;
	v20 =	vmul.f32 v52, v50;
	v10 =	vadd.f32 v10, v24  }
0x137: {  	v39 =	vmul.f32 v48, v46;
	v57 =	vmul.f32 v51, v49;
	v49 =	vld.idx.msk [tilespmem:v47+s31+$0x0], $0xffff  }
0x138: {  	v58 =	vld [tilespmem:$0x1FEF0];
	v5 =	vadd.f32 v5, v25;
	v24 =	vmul.f32 v40, v37;
	v10 =	vadd.f32 v20, v10  }
0x139: {  	v25 =	vld.idx.msk [tilespmem:v21+s30+$0x0], $0xffff;
	v16 =	vadd.f32 v16, v22;
	v22 =	vmul.f32 v34, v31;
	v18 =	vor.u32 v4, v18  }
0x13a: {  	v48 =	vmul.f32 v56, v54;
	v32 =	vmul.f32 v38, v35;
	v21 =	vld.idx.msk [tilespmem:v21+s31+$0x0], $0xffff;
	v0 =	vadd.f32 v62, v0  }
0x13b: {  	v10 =	vadd.f32 v24, v10;
	v31 =	vld.idx.msk [tilespmem:v13+s30+$0x0], $0xffff;
	v16 =	vadd.f32 v22, v16;
	v22 =	vmul.f32 v28, v26  }
0x13c: {  	v35 =	vmul.f32 v43, v42;
	v0 =	vadd.f32 v39, v0;
	v20 =	vmul.f32 v49, v59;
	v13 =	vld.idx.msk [tilespmem:v13+s31+$0x0], $0xffff  }
0x13d: {  	v5 =	vadd.f32 v48, v5;
	v10 =	vadd.f32 v22, v10;
	v22 =	vld [tilespmem:$0x1FF60]  }
0x13e: {  	v0 =	vadd.f32 v35, v0;
	v16 =	vadd.f32 v20, v16;
	v17 =	vmul.f32 v17, v53;
	v26 =	vld.idx.msk [tilespmem:v18+s30+$0x0], $0xffff  }
0x13f: {  	v36 =	vmul.f32 v45, v44;
	v5 =	vadd.f32 v57, v5;
	v20 =	vld.idx.msk [tilespmem:v18+s31+$0x0], $0xffff  }
0x140: {  	v21 =	vmul.f32 v21, v25;
	v0 =	vadd.f32 v32, v0;
	v18 =	vadd.f32 v17, v16;
	v17 =	vld [tilespmem:$0x1FF50]  }
0x141: {  	v62 =	vld.idx.msk [tilespmem:v9+s30+$0x0], $0xffff;
	v5 =	vadd.f32 v36, v5  }
0x142: {  	v13 =	vmul.f32 v13, v31;
	v0 =	vadd.f32 v19, v0;
	v19 =	vld [tilespmem:$0x1FF40];
	v54 =	vadd.f32 v21, v18  }
0x143: {  	v16 =	vld.idx.msk [tilespmem:v7+s30+$0x0], $0xffff  }
0x144: {  	v5 =	vadd.f32 v33, v5;
	v55 =	vadd.f32 v13, v54;
	v13 =	vld [tilespmem:$0x1FF20]  }
0x145: {  	v63 =	vand.u32 $0x7F, v63;
	v14 =	vmul.f32 v15, v14;
	v22 =	vmul.f32 v22, v17;
	v17 =	vld.idx.msk [tilespmem:v7+s31+$0x0], $0xffff  }
0x146: {  	v51 =	vor.u32 v3, v63;
	v5 =	vadd.f32 v29, v5;
	v56 =	vmul.f32 v20, v26;
	v20 =	vld [tilespmem:$0x1FEE0]  }
0x147: {  	v7 =	vadd.f32 v14, v10;
	v14 =	vld [tilespmem:$0x1FF30]  }
0x148: {  	v38 =	vor.u32 v2, v63;
	v9 =	vld.idx.msk [tilespmem:v9+s31+$0x0], $0xffff;
	v5 =	vadd.f32 v27, v5  }
0x149: {  	v30 =	vor.u32 v1, v63;
	v15 =	vld.idx.msk [tilespmem:v11+s30+$0x0], $0xffff  }
0x14a: {  	v11 =	vld.idx.msk [tilespmem:v11+s31+$0x0], $0xffff;
	v25 =	vadd.f32 v6, v5;
	v7 =	vadd.f32 v22, v7  }
0x14b: {  	v6 =	vld.idx.msk [tilespmem:v51+s30+$0x0], $0xffff;
	v22 =	vadd.f32 v23, v0;
	v0 =	vmovc v63;
	v21 =	vmul.f32 v13, v20;
	v13 =	vand.u32 $0x7F, v58  }
0x14c: {  	v59 =	vld.idx.msk [tilespmem:v51+s31+$0x0], $0xffff;
	[tilespmem:$0x1FF10] =	vst v0;
	v14 =	vmul.f32 v19, v14;
	v0 =	vor.u32 v1, v13  }
0x14d: {  	v29 =	vld.idx.msk [tilespmem:v38+s30+$0x0], $0xffff  }
0x14e: {  	v27 =	vld.idx.msk [tilespmem:v30+s31+$0x0], $0xffff;
	v5 =	vor.u32 v2, v13;
	v7 =	vadd.f32 v14, v7  }
0x14f: {  	s18 =	sadd.s32 $0xFFFFFFFD, s12;
	v18 =	vld.idx.msk [tilespmem:v8+s30+$0x0], $0xffff;
	v63 =	vlaneseq.u32  }
0x150: {  	[tilespmem:$0x1FF30] =	vst v6;
	v23 =	vld.idx.msk [tilespmem:v30+s30+$0x0], $0xffff;
	v6 =	vadd.s32 s18, v63;
	v24 =	vadd.f32 v21, v7;
	v7 =	vor.u32 v3, v13  }
0x151: {  	v21 =	vand.u32 $0x7F, v6;
	v31 =	vld.idx.msk [tilespmem:v0+s30+$0x0], $0xffff  }
0x152: {  	v32 =	vld.idx.msk [tilespmem:v0+s31+$0x0], $0xffff;
	v0 =	vor.u32 v2, v21  }
0x153: {  	v33 =	vld.idx.msk [tilespmem:v5+s30+$0x0], $0xffff  }
0x154: {  	v34 =	vld.idx.msk [tilespmem:v5+s31+$0x0], $0xffff  }
0x155: {  	v5 =	vld.idx.msk [tilespmem:v7+s30+$0x0], $0xffff  }
0x156: {  	v30 =	vld.idx.msk [tilespmem:v38+s31+$0x0], $0xffff;
	v6 =	vor.u32 v1, v21  }
0x157: {  	s18 =	sadd.s32 $0xFFFFFFFB, s12;
	v39 =	vld.idx.msk [tilespmem:v0+s30+$0x0], $0xffff  }
0x158: {  	v60 =	vor.u32 v3, v21;
	v41 =	vld.idx.msk [tilespmem:v0+s31+$0x0], $0xffff;
	v0 =	vadd.s32 s18, v63  }
0x159: {  	s17 =	sadd.s32 $0xFFFFFFFC, s12;
	v19 =	vld.idx.msk [tilespmem:v8+s31+$0x0], $0xffff;
	v47 =	vand.u32 $0x7F, v0  }
0x15a: {  	v7 =	vld.idx.msk [tilespmem:v7+s31+$0x0], $0xffff;
	v0 =	vor.u32 v1, v47;
	[tilespmem:$0x1FF50] =	vst v5;
	v5 =	vadd.s32 s17, v63  }
0x15b: {  	v35 =	vld.idx.msk [tilespmem:v6+s30+$0x0], $0xffff;
	v36 =	vand.u32 $0x7F, v5  }
0x15c: {  	v38 =	vld.idx.msk [tilespmem:v6+s31+$0x0], $0xffff;
	v5 =	vor.u32 v1, v36  }
0x15d: {  	v14 =	vld.idx.msk [tilespmem:v60+s30+$0x0], $0xffff  }
0x15e: {  	v57 =	vmul.f32 v11, v15;
	v15 =	vld.idx.msk [tilespmem:v60+s31+$0x0], $0xffff;
	v6 =	vor.u32 v2, v36  }
0x15f: {  	v46 =	vld.idx.msk [tilespmem:v0+s30+$0x0], $0xffff  }
0x160: {  	v61 =	vor.u32 v3, v47;
	v48 =	vld.idx.msk [tilespmem:v0+s31+$0x0], $0xffff  }
0x161: {  	v42 =	vld.idx.msk [tilespmem:v5+s30+$0x0], $0xffff  }
0x162: {  	[tilespmem:$0x1FF60] =	vst v7;
	v7 =	vor.u32 v3, v36;
	v43 =	vld.idx.msk [tilespmem:v5+s31+$0x0], $0xffff  }
0x163: {  	v8 =	vadd.f32 v56, v55;
	s17 =	sadd.s32 $0xFFFFFFFA, s12;
	v44 =	vld.idx.msk [tilespmem:v6+s30+$0x0], $0xffff  }
0x164: {  	v5 =	vor.u32 v2, v47;
	v45 =	vld.idx.msk [tilespmem:v6+s31+$0x0], $0xffff;
	v6 =	vadd.s32 s17, v63  }
0x165: {  	v20 =	vadd.f32 v12, v22;
	v22 =	vadd.f32 v57, v8;
	v37 =	vld.idx.msk [tilespmem:v61+s30+$0x0], $0xffff;
	v57 =	vand.u32 $0x7F, v6  }
0x166: {  	v40 =	vld.idx.msk [tilespmem:v61+s31+$0x0], $0xffff;
	v6 =	vor.u32 v1, v57  }
0x167: {  	v26 =	vld.idx.msk [tilespmem:v7+s30+$0x0], $0xffff  }
0x168: {  	v28 =	vld.idx.msk [tilespmem:v7+s31+$0x0], $0xffff;
	v0 =	vor.u32 v2, v57  }
0x169: {  	v49 =	vld.idx.msk [tilespmem:v5+s30+$0x0], $0xffff  }
0x16a: {  	v7 =	vor.u32 v3, v57;
	v51 =	vld.idx.msk [tilespmem:v5+s31+$0x0], $0xffff  }
0x16b: {  	p0 =	sne.s32 s12, $0x7F;
	v53 =	vld.idx.msk [tilespmem:v6+s30+$0x0], $0xffff  }
.Ltmp1:
0x16c: {  	v55 =	vld.idx.msk [tilespmem:v6+s31+$0x0], $0xffff;
	(pc) =	sbr.rel @p0 .LBB2_5-.Ltmp1, $4  }
0x16d: {  	s18 =	sadd.s32 $0xFFFFFFF9, s12;
	v54 =	vld.idx.msk [tilespmem:v0+s30+$0x0], $0xffff  }
0x16e: {  	[tilespmem:$0x1FF40] =	vst v59;
	v5 =	vadd.s32 s18, v63;
	v56 =	vld.idx.msk [tilespmem:v0+s31+$0x0], $0xffff  }
0x16f: {  	[tilespmem:$0x1FF20] =	vst v9;
	v59 =	vand.u32 $0x7F, v5;
	v50 =	vld.idx.msk [tilespmem:v7+s30+$0x0], $0xffff  }
0x170: {  	s12 =	sadd.s32 $0x8, s12;
	v61 =	vor.u32 v1, v59;
	v60 =	vor.u32 v2, v59;
	v58 =	vor.u32 v3, v59;
	v52 =	vld.idx.msk [tilespmem:v7+s31+$0x0], $0xffff  }
0x171: {  	_ =	sdelay $0x3  }
0x172: {  	v0 =	vld.idx.msk [tilespmem:v61+s30+$0x0], $0xffff  }
0x173: {  	v5 =	vld.idx.msk [tilespmem:v61+s31+$0x0], $0xffff  }
0x174: {  	v7 =	vld.idx.msk [tilespmem:v60+s30+$0x0], $0xffff  }
0x175: {  	v6 =	vor.u32 v4, v59;
	v8 =	vld.idx.msk [tilespmem:v60+s31+$0x0], $0xffff  }
0x176: {  	v12 =	vld.idx.msk [tilespmem:v58+s30+$0x0], $0xffff  }
0x177: {  	v9 =	vor.u32 v4, v57;
	v11 =	vmul.f32 v19, v18;
	v18 =	vld.idx.msk [tilespmem:v58+s31+$0x0], $0xffff  }
0x178: {  	v57 =	vmul.f32 v55, v53;
	v55 =	vld [tilespmem:$0x1FF50]  }
0x179: {  	v59 =	vmul.f32 v56, v54;
	v56 =	vld [tilespmem:$0x1FF60]  }
0x17a: {  	v10 =	vmul.f32 v17, v16;
	v17 =	vmul.f32 v30, v29;
	v61 =	vor.u32 v4, v47;
	v29 =	vld.idx.msk [tilespmem:v6+s30+$0x0], $0xffff  }
0x17b: {  	v6 =	vld.idx.msk [tilespmem:v6+s31+$0x0], $0xffff  }
0x17c: {  	v16 =	vmul.f32 v27, v23;
	v23 =	vmul.f32 v32, v31;
	v32 =	vor.u32 v4, v36;
	v47 =	vld.idx.msk [tilespmem:v9+s30+$0x0], $0xffff  }
0x17d: {  	v9 =	vld.idx.msk [tilespmem:v9+s31+$0x0], $0xffff  }
0x17e: {  	v0 =	vmul.f32 v5, v0;
	v5 =	vld [tilespmem:$0x1FF00]  }
0x17f: {  	v21 =	vor.u32 v4, v21;
	v58 =	vld.idx.msk [tilespmem:v61+s30+$0x0], $0xffff  }
0x180: {  	v60 =	vld.idx.msk [tilespmem:v61+s31+$0x0], $0xffff  }
0x181: {  	v27 =	vmul.f32 v34, v33;
	v61 =	vld.idx.msk [tilespmem:v32+s30+$0x0], $0xffff  }
0x182: {  	v13 =	vor.u32 v4, v13;
	v7 =	vmul.f32 v8, v7;
	v6 =	vmul.f32 v6, v29;
	v29 =	vld [tilespmem:$0x1FF10]  }
0x183: {  	v30 =	vmul.f32 v38, v35;
	v33 =	vmul.f32 v43, v42;
	v43 =	vld.idx.msk [tilespmem:v32+s31+$0x0], $0xffff  }
0x184: {  	v34 =	vmul.f32 v45, v44;
	v12 =	vmul.f32 v18, v12;
	v45 =	vld.idx.msk [tilespmem:v21+s30+$0x0], $0xffff;
	v7 =	vadd.f32 v7, v25  }
0x185: {  	v48 =	vmul.f32 v48, v46;
	v21 =	vld.idx.msk [tilespmem:v21+s31+$0x0], $0xffff;
	v0 =	vadd.f32 v0, v20;
	v5 =	vor.u32 v4, v5  }
0x186: {  	v44 =	vmul.f32 v52, v50;
	v12 =	vadd.f32 v12, v24;
	v7 =	vadd.f32 v59, v7;
	v59 =	vld [tilespmem:$0x1FF40]  }
0x187: {  	v0 =	vadd.f32 v57, v0;
	v9 =	vmul.f32 v9, v47;
	v47 =	vld.idx.msk [tilespmem:v13+s30+$0x0], $0xffff;
	v19 =	vor.u32 v4, v29  }
0x188: {  	v51 =	vmul.f32 v51, v49;
	v8 =	vmul.f32 v60, v58;
	v58 =	vld [tilespmem:$0x1FF30];
	v6 =	vadd.f32 v6, v22  }
0x189: {  	v46 =	vmul.f32 v40, v37;
	v12 =	vadd.f32 v44, v12;
	v0 =	vadd.f32 v48, v0;
	v48 =	vld.idx.msk [tilespmem:v13+s31+$0x0], $0xffff  }
0x18a: {  	v31 =	vmul.f32 v41, v39;
	v7 =	vadd.f32 v51, v7;
	v6 =	vadd.f32 v9, v6;
	v53 =	vld.idx.msk [tilespmem:v5+s30+$0x0], $0xffff  }
0x18b: {  	v49 =	vmul.f32 v28, v26;
	v12 =	vadd.f32 v46, v12;
	v0 =	vadd.f32 v33, v0;
	v5 =	vld.idx.msk [tilespmem:v5+s31+$0x0], $0xffff  }
0x18c: {  	s12 =	simm.s32 @!p1 $0x6;
	v51 =	vmul.f32 v43, v61;
	v7 =	vadd.f32 v34, v7;
	v6 =	vadd.f32 v8, v6;
	v50 =	vld.idx.msk [tilespmem:v19+s30+$0x0], $0xffff  }
0x18d: {  	v14 =	vmul.f32 v15, v14;
	v12 =	vadd.f32 v49, v12;
	v0 =	vadd.f32 v30, v0;
	v52 =	vld.idx.msk [tilespmem:v19+s31+$0x0], $0xffff;
	_ =	swait.ge @!p1 [sflag:s12], $0x40  }
0x18e: {  	v54 =	vmul.f32 v21, v45;
	v7 =	vadd.f32 v31, v7;
	v6 =	vadd.f32 v51, v6;
	v61 =	vld [tilespmem:$0x1FF20]  }
0x18f: {  	v15 =	vmul.f32 v56, v55;
	v12 =	vadd.f32 v14, v12;
	v0 =	vadd.f32 v23, v0  }
0x190: {  	v57 =	vmul.f32 v48, v47;
	v7 =	vadd.f32 v27, v7;
	v6 =	vadd.f32 v54, v6  }
0x191: {  	v9 =	vmul.f32 v59, v58;
	v12 =	vadd.f32 v15, v12;
	v0 =	vadd.f32 v16, v0  }
0x192: {  	v7 =	vadd.f32 v17, v7;
	v6 =	vadd.f32 v57, v6;
	v60 =	vmul.f32 v52, v50  }
0x193: {  	s10 =	sadd.s32 $0x1, s10;
	v9 =	vadd.f32 v9, v12;
	v0 =	vadd.f32 v10, v0;
	[sflag:s12] =	ssyncset.done @!p1 $0x0;
	v14 =	vmul.f32 v61, v62  }
0x194: {  	p0 =	sne.s32 s10, $0x50;
	v5 =	vmul.f32 v5, v53;
	v7 =	vadd.f32 v11, v7;
	[sflag:s12] =	ssyncadd.s32 @!p1 $0xFFFFFFC0;
	v6 =	vadd.f32 v60, v6  }
.Ltmp2:
0x195: {  	[tilespmem:$0x1C280] =	vst v0;
	v62 =	vadd.f32 v14, v9;
	(pc) =	sbr.rel @p0 .LBB2_2-.Ltmp2, $4  }
0x196: {  	s11 =	sadd.s32 s11, s16;
	[tilespmem:$0x1C290] =	vst v7;
	v0 =	vadd.f32 v5, v6  }
0x197: {  	s11 =	sshrl.u32 s11, $0x3;
	[tilespmem:$0x1C2A0] =	vst v62  }
0x198: {  	s11 =	sadd.s32 s7, s11;
	[tilespmem:$0x1C2B0] =	vst v0  }
0x199: {  	[hbm4b:s11+s4] =	stream.linear.scatter [tilespmem:s20], [sflag:$0x6], $0x40, $0x38;
	[tilespmem:$0x1C300] =	vst v63  }
0x19a: {  	_ =	swait.ge [sflag:s21], $0x40  }
0x19b: {  	[sflag:s21] =	ssyncset.done $0x0  }
0x19c: {  	[sflag:s21] =	ssyncadd.s32 $0xFFFFFFC0  }
0x19d: {  	_ =	swait.ge [sflag:s8], $0x40  }
0x19e: {  	s9 =	sadd.s32 $0x1, s9;
	s10 =	rddreg [dreg:$0x9]  }
0x19f: {  	p0 =	sne.s32 s9, s10  }
.Ltmp3:
0x1a0: {  	_ = 	snop;
	(pc) =	sbr.rel @p0 .LBB2_1-.Ltmp3, $3  }
0x1a1: {  	_ =	sdelay $0x1  }
0x1a2: {  	[sflag:s8] =	ssyncset.done $0x0  }
0x1a3: {  	[sflag:s8] =	ssyncadd.s32 $0xFFFFFFC0  }
0x1a4: {  	_ =	sfence.sel $0x180000  }
0x1a5: {  	[bflag:$0x0] =	sbarrier.arrive $0xFFFF  }
0x1a6: {  	_ =	strace $0x90000047  }
0x1a7: {  	s0 =	stileid.u32;
	[bflag:$0x2] =	sbarrier.arrive $0xFFFF  }
0x1a8: {  	p0 =	sne.s32 s0, $0x0;
	s0 =	rddreg [dreg:$0x2]  }
0x1a9: {  	s0 =	sadd.s32 @!p0 $0x100000, s0  }
0x1aa: {  	[sflag:s0] =	ssyncadd.tile.s32 @!p0 $0x1;
	_ =	shalt  }
.Lfunc_end2:
_tile_overlayer_lowered:
.L_overlay_start_2:
0x1ab: {  	(tag) =	ssettag $0x2  }
0x1ac: {  	s0 =	rddreg [dreg:$0x0];
	s2 =	stileid.u32  }
0x1ad: {  	s1 =	rddreg [dreg:$0x1];
	p0 =	sne.s32 s2, $0x0  }
0x1ae: {  	s3 =	rddreg [dreg:$0x2];
	[bflag:$0x3] =	sbarrier.arrive $0xFFFF;
	s2 =	simm.s32 @!p0 $0x1C07  }
0x1af: {  	[timem:s3], [sflag:s2] =	dma.local @!p0 [hbm:s0], s1  }
0x1b0: {  	s0 =	simm.s32 @!p0 $0x7  }
0x1b1: {  	_ =	swait.ge @!p0 [sflag:s0], s1  }
0x1b2: {  	s1 =	ssub.s32 @!p0 $0x0, s1;
	[sflag:s0] =	ssyncset.done @!p0 $0x0  }
0x1b3: {  	[sflag:s0] =	ssyncadd.s32 @!p0 s1  }
0x1b4: {  	[bflag:$0x3] =	sbarrier.arrive $0xFFFF  }
0x1b5: {  	_ =	shalt  }

</sc_bundles>
